<compile_context>
chip_gen: v7x
topology: tpu7x:2x2x1
jax: 0.10.2.dev20260603
libtpu: 0.0.44.dev20260713+nightly
codegen_flags: <defaults>
</compile_context>

<pallas_src>
import functools

import jax
import jax.numpy as jnp
from jax import lax
from jax.experimental import pallas as pl
from jax.experimental.pallas import tpu as pltpu
from jax.experimental.pallas import tpu_sc as plsc

HIDDEN = 128
CHUNK = 80
SETCHUNKS = 2
SETROWS = SETCHUNKS * CHUNK
SETS = 4
NC = 2
NS = 16
NW = NC * NS


@functools.partial(jax.jit, static_argnums=(0, 1))
def _lookup(n_tokens, chunks_per_w, idx, table):
    per_w = chunks_per_w * CHUNK
    groups = chunks_per_w // SETCHUNKS
    rounds = groups // SETS
    vocab = table.shape[0]
    n_full = vocab // 128
    rem = vocab % 128
    mesh = plsc.VectorSubcoreMesh(core_axis_name="c", subcore_axis_name="s")

    @functools.partial(
        pl.kernel,
        mesh=mesh,
        out_type=jax.ShapeDtypeStruct((n_tokens, HIDDEN), jnp.float32),
        scratch_types=[
            pltpu.VMEM((chunks_per_w, CHUNK), jnp.int32),
            pltpu.VMEM((SETS, SETROWS, HIDDEN), jnp.float32),
            pltpu.VMEM_SHARED((vocab, HIDDEN), jnp.float32),
        ]
        + [pltpu.SemaphoreType.DMA] * (2 * SETS),
    )
    def k(idx_hbm, table_hbm, out_hbm, idx_v, rows_v, table_sh, *sems):
        gsem = sems[:SETS]
        wsem = sems[SETS:]
        sid = lax.axis_index("s")
        wid = sid * NC + lax.axis_index("c")
        base = wid * per_w
        @pl.when(sid < n_full)
        def _():
            pltpu.sync_copy(
                table_hbm.at[pl.ds(sid * 128, 128)],
                table_sh.at[pl.ds(sid * 128, 128)],
            )

        if rem:
            @pl.when(sid == n_full)
            def _():
                pltpu.sync_copy(
                    table_hbm.at[pl.ds(n_full * 128, rem)],
                    table_sh.at[pl.ds(n_full * 128, rem)],
                )
        pltpu.sync_copy(idx_hbm.at[wid], idx_v)
        plsc.subcore_barrier()

        def gather_descs(sp, g):
            return [
                pltpu.make_async_copy(
                    table_sh.at[idx_v.at[g * SETCHUNKS + b]],
                    rows_v.at[sp, pl.ds(b * CHUNK, CHUNK)],
                    gsem[sp],
                )
                for b in range(SETCHUNKS)
            ]

        def write_desc(sp, g):
            return pltpu.make_async_copy(
                rows_v.at[sp],
                out_hbm.at[pl.ds(base + g * SETROWS, SETROWS)],
                wsem[sp],
            )

        def issue_gathers(sp, g):
            for d in gather_descs(sp, g):
                d.start()

        for sp in range(SETS):
            issue_gathers(sp, sp)

        def body(t, carry):
            for sp in range(SETS):
                for d in gather_descs(sp, SETS * t + sp):
                    d.wait()
                write_desc(sp, SETS * t + sp).start()
            for sp in range(SETS):
                write_desc(sp, SETS * t + sp).wait()
                issue_gathers(sp, SETS * (t + 1) + sp)
            return carry

        lax.fori_loop(0, rounds - 1, body, 0)

        t = rounds - 1
        wds = []
        for sp in range(SETS):
            for d in gather_descs(sp, SETS * t + sp):
                d.wait()
            wd = write_desc(sp, SETS * t + sp)
            wd.start()
            wds.append(wd)
        for wd in wds:
            wd.wait()

    return k(idx, table)


def kernel(batch, doc_len, embed_weight):
    del doc_len
    bsz, seq = batch.shape
    n_tokens = bsz * seq
    chunks_per_w = n_tokens // (NW * CHUNK)
    idx = batch.reshape(NW, chunks_per_w, CHUNK).astype(jnp.int32)
    out = _lookup(n_tokens, chunks_per_w, idx, embed_weight)
    return out.reshape(bsz, seq, HIDDEN)

# --- scband reference (transcript-rebuilt; emitter-appended) ---
"""Pipeline reference for scband-no-encoder-56547539419664 (READ-ONLY COPY).

The authoritative reference and input builder live on the scoring server;
editing this copy changes nothing except your own understanding.
"""

import jax, jax.numpy as jnp
import numpy as np

VOCAB = 1000
HIDDEN = 128
B = 4096
L = 200

def setup_inputs(seed: int = 0) -> dict:
    key = jax.random.key(seed)
    k1, k2, k3 = jax.random.split(key, 3)
    batch = jax.random.randint(k1, (B, L), 0, VOCAB)
    doc_len = jax.random.randint(k2, (B,), 0, L)
    embed_weight = jax.random.normal(k3, (VOCAB, HIDDEN), dtype=jnp.float32)
    return {"batch": batch, "doc_len": doc_len, "embed_weight": embed_weight}

def reference(batch, doc_len, embed_weight):
    # NoEncoder.forward: return self.embed(batch); doc_len is unused
    return jnp.take(embed_weight, batch, axis=0)

if __name__ == "__main__":
    import jax
    _d = setup_inputs()
    print(jax.jit(kernel)(*tuple(_d.values())))

</pallas_src>

<mosaic_0001>
#map = affine_map<(d0, d1) -> (0, 0, 0)>
#map1 = affine_map<(d0, d1) -> (0, 0)>
module attributes {stable_mosaic.version = 14 : i64} {
  func.func @k(%arg0: i32, %arg1: i32, %arg2: memref<32x320x80xi32, #tpu.memory_space<hbm>>, %arg3: memref<1000x128xf32, #tpu.memory_space<hbm>>, %arg4: memref<819200x128xf32, #tpu.memory_space<hbm>>, %arg5: memref<320x80xi32, #tpu.memory_space<vmem>>, %arg6: memref<4x160x128xf32, #tpu.memory_space<vmem>>, %arg7: memref<1000x128xf32, #tpu.memory_space<vmem_shared>>, %arg8: memref<!tpu.dma_semaphore, #tpu.memory_space<semaphore_mem>>, %arg9: memref<!tpu.dma_semaphore, #tpu.memory_space<semaphore_mem>>, %arg10: memref<!tpu.dma_semaphore, #tpu.memory_space<semaphore_mem>>, %arg11: memref<!tpu.dma_semaphore, #tpu.memory_space<semaphore_mem>>, %arg12: memref<!tpu.dma_semaphore, #tpu.memory_space<semaphore_mem>>, %arg13: memref<!tpu.dma_semaphore, #tpu.memory_space<semaphore_mem>>, %arg14: memref<!tpu.dma_semaphore, #tpu.memory_space<semaphore_mem>>, %arg15: memref<!tpu.dma_semaphore, #tpu.memory_space<semaphore_mem>>) attributes {dimension_semantics = [#tpu.dimension_semantics<core_parallel>, #tpu.dimension_semantics<subcore_parallel>], iteration_bounds = array<i64: 2, 16>, scalar_prefetch = 0 : i64, scratch_operands = 11 : i64, tpu.core_type = #tpu.core_type<sc_vector_subcore>, window_params = [{transform_indices = #map}, {transform_indices = #map1}, {transform_indices = #map1}]} {
    %mul3A = arith.constant 2 : i32
    %mul3A_0 = arith.muli %arg1, %mul3A : i32
    %add3A = arith.addi %mul3A_0, %arg0 : i32
    %mul3A_1 = arith.constant 25600 : i32
    %mul3A_2 = arith.muli %add3A, %mul3A_1 : i32
    %lt3A = arith.constant 7 : i32
    %lt3A_3 = arith.cmpi slt, %arg1, %lt3A : i32
    %convert_element_type3A = arith.extui %lt3A_3 : i1 to i32
    %cond3A = arith.constant 0 : i32
    %cond3A_4 = arith.cmpi ne, %convert_element_type3A, %cond3A : i32
    scf.if %cond3A_4 {
      %mul3A_316 = arith.constant 128 : i32
      %mul3A_317 = arith.muli %arg1, %mul3A_316 : i32
      %mul3A_318 = arith.constant 128 : i32
      %mul3A_319 = arith.muli %arg1, %mul3A_318 : i32
      "tpu.region"() ({
        %run_scoped3A = tpu.sem_alloc : memref<!tpu.dma_semaphore, #tpu.memory_space<semaphore_mem>>
        %dma_start3A_320 = arith.constant 0 : i32
        %dma_start3A_321 = tpu.memref_slice %arg7[%mul3A_319, %dma_start3A_320] : memref<1000x128xf32, #tpu.memory_space<vmem_shared>> -> memref<128x128xf32, #tpu.memory_space<vmem_shared>>
        %dma_start3A_322 = arith.constant 0 : i32
        %dma_start3A_323 = tpu.memref_slice %arg3[%mul3A_317, %dma_start3A_322] : memref<1000x128xf32, #tpu.memory_space<hbm>> -> memref<128x128xf32, #tpu.memory_space<hbm>>
        tpu.enqueue_dma source(%dma_start3A_323 : memref<128x128xf32, #tpu.memory_space<hbm>>) target(%dma_start3A_321 : memref<128x128xf32, #tpu.memory_space<vmem_shared>>) target_semaphore(%run_scoped3A : memref<!tpu.dma_semaphore, #tpu.memory_space<semaphore_mem>>)
        %dma_wait3A_324 = arith.constant 0 : i32
        %dma_wait3A_325 = tpu.memref_slice %arg7[%mul3A_319, %dma_wait3A_324] : memref<1000x128xf32, #tpu.memory_space<vmem_shared>> -> memref<128x128xf32, #tpu.memory_space<vmem_shared>>
        %dma_wait3A_326 = arith.constant 0 : i32
        %dma_wait3A_327 = tpu.memref_slice %arg3[%mul3A_317, %dma_wait3A_326] : memref<1000x128xf32, #tpu.memory_space<hbm>> -> memref<128x128xf32, #tpu.memory_space<hbm>>
        tpu.wait_dma2 semaphore(%run_scoped3A : memref<!tpu.dma_semaphore, #tpu.memory_space<semaphore_mem>>) src(%dma_wait3A_327 : memref<128x128xf32, #tpu.memory_space<hbm>>) dst(%dma_wait3A_325 : memref<128x128xf32, #tpu.memory_space<vmem_shared>>)
        tpu.yield
      }) : () -> ()
    } else {
    }
    %eq3A = arith.constant 7 : i32
    %eq3A_5 = arith.cmpi eq, %arg1, %eq3A : i32
    %convert_element_type3A_6 = arith.extui %eq3A_5 : i1 to i32
    %cond3A_7 = arith.constant 0 : i32
    %cond3A_8 = arith.cmpi ne, %convert_element_type3A_6, %cond3A_7 : i32
    scf.if %cond3A_8 {
      "tpu.region"() ({
        %run_scoped3A = tpu.sem_alloc : memref<!tpu.dma_semaphore, #tpu.memory_space<semaphore_mem>>
        %dma_start3A_316 = arith.constant 896 : i32
        %dma_start3A_317 = arith.constant 0 : i32
        %dma_start3A_318 = tpu.memref_slice %arg7[%dma_start3A_316, %dma_start3A_317] : memref<1000x128xf32, #tpu.memory_space<vmem_shared>> -> memref<104x128xf32, #tpu.memory_space<vmem_shared>>
        %dma_start3A_319 = arith.constant 896 : i32
        %dma_start3A_320 = arith.constant 0 : i32
        %dma_start3A_321 = tpu.memref_slice %arg3[%dma_start3A_319, %dma_start3A_320] : memref<1000x128xf32, #tpu.memory_space<hbm>> -> memref<104x128xf32, #tpu.memory_space<hbm>>
        tpu.enqueue_dma source(%dma_start3A_321 : memref<104x128xf32, #tpu.memory_space<hbm>>) target(%dma_start3A_318 : memref<104x128xf32, #tpu.memory_space<vmem_shared>>) target_semaphore(%run_scoped3A : memref<!tpu.dma_semaphore, #tpu.memory_space<semaphore_mem>>)
        %dma_wait3A_322 = arith.constant 896 : i32
        %dma_wait3A_323 = arith.constant 0 : i32
        %dma_wait3A_324 = tpu.memref_slice %arg7[%dma_wait3A_322, %dma_wait3A_323] : memref<1000x128xf32, #tpu.memory_space<vmem_shared>> -> memref<104x128xf32, #tpu.memory_space<vmem_shared>>
        %dma_wait3A_325 = arith.constant 896 : i32
        %dma_wait3A_326 = arith.constant 0 : i32
        %dma_wait3A_327 = tpu.memref_slice %arg3[%dma_wait3A_325, %dma_wait3A_326] : memref<1000x128xf32, #tpu.memory_space<hbm>> -> memref<104x128xf32, #tpu.memory_space<hbm>>
        tpu.wait_dma2 semaphore(%run_scoped3A : memref<!tpu.dma_semaphore, #tpu.memory_space<semaphore_mem>>) src(%dma_wait3A_327 : memref<104x128xf32, #tpu.memory_space<hbm>>) dst(%dma_wait3A_324 : memref<104x128xf32, #tpu.memory_space<vmem_shared>>)
        tpu.yield
      }) : () -> ()
    } else {
    }
    "tpu.region"() ({
      %run_scoped3A = tpu.sem_alloc : memref<!tpu.dma_semaphore, #tpu.memory_space<semaphore_mem>>
      %dma_start3A_316 = arith.constant 0 : i32
      %dma_start3A_317 = arith.constant 0 : i32
      %dma_start3A_318 = tpu.memref_slice %arg2[%add3A, %dma_start3A_316, %dma_start3A_317] : memref<32x320x80xi32, #tpu.memory_space<hbm>> -> memref<1x320x80xi32, #tpu.memory_space<hbm>>
      %dma_start3A_319 = tpu.memref_squeeze %dma_start3A_318 : memref<1x320x80xi32, #tpu.memory_space<hbm>> -> memref<320x80xi32, #tpu.memory_space<hbm>>
      %dma_start3A_320 = arith.constant 0 : i32
      %dma_start3A_321 = arith.constant 0 : i32
      %dma_start3A_322 = tpu.memref_slice %arg2[%add3A, %dma_start3A_320, %dma_start3A_321] : memref<32x320x80xi32, #tpu.memory_space<hbm>> -> memref<1x320x80xi32, #tpu.memory_space<hbm>>
      %dma_start3A_323 = tpu.memref_squeeze %dma_start3A_322 : memref<1x320x80xi32, #tpu.memory_space<hbm>> -> memref<320x80xi32, #tpu.memory_space<hbm>>
      tpu.enqueue_dma source(%dma_start3A_323 : memref<320x80xi32, #tpu.memory_space<hbm>>) target(%arg5 : memref<320x80xi32, #tpu.memory_space<vmem>>) target_semaphore(%run_scoped3A : memref<!tpu.dma_semaphore, #tpu.memory_space<semaphore_mem>>)
      %dma_wait3A_324 = arith.constant 0 : i32
      %dma_wait3A_325 = arith.constant 0 : i32
      %dma_wait3A_326 = tpu.memref_slice %arg2[%add3A, %dma_wait3A_324, %dma_wait3A_325] : memref<32x320x80xi32, #tpu.memory_space<hbm>> -> memref<1x320x80xi32, #tpu.memory_space<hbm>>
      %dma_wait3A_327 = tpu.memref_squeeze %dma_wait3A_326 : memref<1x320x80xi32, #tpu.memory_space<hbm>> -> memref<320x80xi32, #tpu.memory_space<hbm>>
      %dma_wait3A_328 = arith.constant 0 : i32
      %dma_wait3A_329 = arith.constant 0 : i32
      %dma_wait3A_330 = tpu.memref_slice %arg2[%add3A, %dma_wait3A_328, %dma_wait3A_329] : memref<32x320x80xi32, #tpu.memory_space<hbm>> -> memref<1x320x80xi32, #tpu.memory_space<hbm>>
      %dma_wait3A_331 = tpu.memref_squeeze %dma_wait3A_330 : memref<1x320x80xi32, #tpu.memory_space<hbm>> -> memref<320x80xi32, #tpu.memory_space<hbm>>
      tpu.wait_dma2 semaphore(%run_scoped3A : memref<!tpu.dma_semaphore, #tpu.memory_space<semaphore_mem>>) src(%dma_wait3A_331 : memref<320x80xi32, #tpu.memory_space<hbm>>) dst(%arg5 : memref<320x80xi32, #tpu.memory_space<vmem>>)
      tpu.yield
    }) : () -> ()
    %barrier3A = arith.constant 0 : index
    tpu.barrier barrier_id(%barrier3A)
    %dma_start3A = arith.constant 0 : i32
    %dma_start3A_9 = arith.constant 0 : i32
    %dma_start3A_10 = arith.constant 0 : i32
    %dma_start3A_11 = arith.constant 0 : i32
    %dma_start3A_12 = tpu.memref_slice %arg6[%dma_start3A_9, %dma_start3A_10, %dma_start3A_11] : memref<4x160x128xf32, #tpu.memory_space<vmem>> -> memref<1x80x128xf32, #tpu.memory_space<vmem>>
    %dma_start3A_13 = tpu.memref_squeeze %dma_start3A_12 : memref<1x80x128xf32, #tpu.memory_space<vmem>> -> memref<80x128xf32, #tpu.memory_space<vmem>>
    %dma_start3A_14 = arith.constant 0 : i32
    %dma_start3A_15 = tpu.memref_slice %arg5[%dma_start3A, %dma_start3A_14] : memref<320x80xi32, #tpu.memory_space<vmem>> -> memref<1x80xi32, #tpu.memory_space<vmem>>
    %dma_start3A_16 = tpu.memref_squeeze %dma_start3A_15 : memref<1x80xi32, #tpu.memory_space<vmem>> -> memref<80xi32, #tpu.memory_space<vmem>>
    %dma_start3A_17 = arith.constant 0 : i32
    %dma_start3A_18 = arith.constant 0 : i32
    %dma_start3A_19 = tpu.memref_slice %arg7[%dma_start3A_17, %dma_start3A_18] : memref<1000x128xf32, #tpu.memory_space<vmem_shared>> -> memref<1000x128xf32, #tpu.memory_space<vmem_shared>>
    tpu.enqueue_indirect_dma source(%dma_start3A_19 : memref<1000x128xf32, #tpu.memory_space<vmem_shared>>) target(%dma_start3A_13 : memref<80x128xf32, #tpu.memory_space<vmem>>) offsets(%dma_start3A_16 : memref<80xi32, #tpu.memory_space<vmem>>) semaphore(%arg8 : memref<!tpu.dma_semaphore, #tpu.memory_space<semaphore_mem>>)
    %dma_start3A_20 = arith.constant 1 : i32
    %dma_start3A_21 = arith.constant 0 : i32
    %dma_start3A_22 = arith.constant 80 : i32
    %dma_start3A_23 = arith.constant 0 : i32
    %dma_start3A_24 = tpu.memref_slice %arg6[%dma_start3A_21, %dma_start3A_22, %dma_start3A_23] : memref<4x160x128xf32, #tpu.memory_space<vmem>> -> memref<1x80x128xf32, #tpu.memory_space<vmem>>
    %dma_start3A_25 = tpu.memref_squeeze %dma_start3A_24 : memref<1x80x128xf32, #tpu.memory_space<vmem>> -> memref<80x128xf32, #tpu.memory_space<vmem>>
    %dma_start3A_26 = arith.constant 0 : i32
    %dma_start3A_27 = tpu.memref_slice %arg5[%dma_start3A_20, %dma_start3A_26] : memref<320x80xi32, #tpu.memory_space<vmem>> -> memref<1x80xi32, #tpu.memory_space<vmem>>
    %dma_start3A_28 = tpu.memref_squeeze %dma_start3A_27 : memref<1x80xi32, #tpu.memory_space<vmem>> -> memref<80xi32, #tpu.memory_space<vmem>>
    %dma_start3A_29 = arith.constant 0 : i32
    %dma_start3A_30 = arith.constant 0 : i32
    %dma_start3A_31 = tpu.memref_slice %arg7[%dma_start3A_29, %dma_start3A_30] : memref<1000x128xf32, #tpu.memory_space<vmem_shared>> -> memref<1000x128xf32, #tpu.memory_space<vmem_shared>>
    tpu.enqueue_indirect_dma source(%dma_start3A_31 : memref<1000x128xf32, #tpu.memory_space<vmem_shared>>) target(%dma_start3A_25 : memref<80x128xf32, #tpu.memory_space<vmem>>) offsets(%dma_start3A_28 : memref<80xi32, #tpu.memory_space<vmem>>) semaphore(%arg8 : memref<!tpu.dma_semaphore, #tpu.memory_space<semaphore_mem>>)
    %dma_start3A_32 = arith.constant 2 : i32
    %dma_start3A_33 = arith.constant 1 : i32
    %dma_start3A_34 = arith.constant 0 : i32
    %dma_start3A_35 = arith.constant 0 : i32
    %dma_start3A_36 = tpu.memref_slice %arg6[%dma_start3A_33, %dma_start3A_34, %dma_start3A_35] : memref<4x160x128xf32, #tpu.memory_space<vmem>> -> memref<1x80x128xf32, #tpu.memory_space<vmem>>
    %dma_start3A_37 = tpu.memref_squeeze %dma_start3A_36 : memref<1x80x128xf32, #tpu.memory_space<vmem>> -> memref<80x128xf32, #tpu.memory_space<vmem>>
    %dma_start3A_38 = arith.constant 0 : i32
    %dma_start3A_39 = tpu.memref_slice %arg5[%dma_start3A_32, %dma_start3A_38] : memref<320x80xi32, #tpu.memory_space<vmem>> -> memref<1x80xi32, #tpu.memory_space<vmem>>
    %dma_start3A_40 = tpu.memref_squeeze %dma_start3A_39 : memref<1x80xi32, #tpu.memory_space<vmem>> -> memref<80xi32, #tpu.memory_space<vmem>>
    %dma_start3A_41 = arith.constant 0 : i32
    %dma_start3A_42 = arith.constant 0 : i32
    %dma_start3A_43 = tpu.memref_slice %arg7[%dma_start3A_41, %dma_start3A_42] : memref<1000x128xf32, #tpu.memory_space<vmem_shared>> -> memref<1000x128xf32, #tpu.memory_space<vmem_shared>>
    tpu.enqueue_indirect_dma source(%dma_start3A_43 : memref<1000x128xf32, #tpu.memory_space<vmem_shared>>) target(%dma_start3A_37 : memref<80x128xf32, #tpu.memory_space<vmem>>) offsets(%dma_start3A_40 : memref<80xi32, #tpu.memory_space<vmem>>) semaphore(%arg9 : memref<!tpu.dma_semaphore, #tpu.memory_space<semaphore_mem>>)
    %dma_start3A_44 = arith.constant 3 : i32
    %dma_start3A_45 = arith.constant 1 : i32
    %dma_start3A_46 = arith.constant 80 : i32
    %dma_start3A_47 = arith.constant 0 : i32
    %dma_start3A_48 = tpu.memref_slice %arg6[%dma_start3A_45, %dma_start3A_46, %dma_start3A_47] : memref<4x160x128xf32, #tpu.memory_space<vmem>> -> memref<1x80x128xf32, #tpu.memory_space<vmem>>
    %dma_start3A_49 = tpu.memref_squeeze %dma_start3A_48 : memref<1x80x128xf32, #tpu.memory_space<vmem>> -> memref<80x128xf32, #tpu.memory_space<vmem>>
    %dma_start3A_50 = arith.constant 0 : i32
    %dma_start3A_51 = tpu.memref_slice %arg5[%dma_start3A_44, %dma_start3A_50] : memref<320x80xi32, #tpu.memory_space<vmem>> -> memref<1x80xi32, #tpu.memory_space<vmem>>
    %dma_start3A_52 = tpu.memref_squeeze %dma_start3A_51 : memref<1x80xi32, #tpu.memory_space<vmem>> -> memref<80xi32, #tpu.memory_space<vmem>>
    %dma_start3A_53 = arith.constant 0 : i32
    %dma_start3A_54 = arith.constant 0 : i32
    %dma_start3A_55 = tpu.memref_slice %arg7[%dma_start3A_53, %dma_start3A_54] : memref<1000x128xf32, #tpu.memory_space<vmem_shared>> -> memref<1000x128xf32, #tpu.memory_space<vmem_shared>>
    tpu.enqueue_indirect_dma source(%dma_start3A_55 : memref<1000x128xf32, #tpu.memory_space<vmem_shared>>) target(%dma_start3A_49 : memref<80x128xf32, #tpu.memory_space<vmem>>) offsets(%dma_start3A_52 : memref<80xi32, #tpu.memory_space<vmem>>) semaphore(%arg9 : memref<!tpu.dma_semaphore, #tpu.memory_space<semaphore_mem>>)
    %dma_start3A_56 = arith.constant 4 : i32
    %dma_start3A_57 = arith.constant 2 : i32
    %dma_start3A_58 = arith.constant 0 : i32
    %dma_start3A_59 = arith.constant 0 : i32
    %dma_start3A_60 = tpu.memref_slice %arg6[%dma_start3A_57, %dma_start3A_58, %dma_start3A_59] : memref<4x160x128xf32, #tpu.memory_space<vmem>> -> memref<1x80x128xf32, #tpu.memory_space<vmem>>
    %dma_start3A_61 = tpu.memref_squeeze %dma_start3A_60 : memref<1x80x128xf32, #tpu.memory_space<vmem>> -> memref<80x128xf32, #tpu.memory_space<vmem>>
    %dma_start3A_62 = arith.constant 0 : i32
    %dma_start3A_63 = tpu.memref_slice %arg5[%dma_start3A_56, %dma_start3A_62] : memref<320x80xi32, #tpu.memory_space<vmem>> -> memref<1x80xi32, #tpu.memory_space<vmem>>
    %dma_start3A_64 = tpu.memref_squeeze %dma_start3A_63 : memref<1x80xi32, #tpu.memory_space<vmem>> -> memref<80xi32, #tpu.memory_space<vmem>>
    %dma_start3A_65 = arith.constant 0 : i32
    %dma_start3A_66 = arith.constant 0 : i32
    %dma_start3A_67 = tpu.memref_slice %arg7[%dma_start3A_65, %dma_start3A_66] : memref<1000x128xf32, #tpu.memory_space<vmem_shared>> -> memref<1000x128xf32, #tpu.memory_space<vmem_shared>>
    tpu.enqueue_indirect_dma source(%dma_start3A_67 : memref<1000x128xf32, #tpu.memory_space<vmem_shared>>) target(%dma_start3A_61 : memref<80x128xf32, #tpu.memory_space<vmem>>) offsets(%dma_start3A_64 : memref<80xi32, #tpu.memory_space<vmem>>) semaphore(%arg10 : memref<!tpu.dma_semaphore, #tpu.memory_space<semaphore_mem>>)
    %dma_start3A_68 = arith.constant 5 : i32
    %dma_start3A_69 = arith.constant 2 : i32
    %dma_start3A_70 = arith.constant 80 : i32
    %dma_start3A_71 = arith.constant 0 : i32
    %dma_start3A_72 = tpu.memref_slice %arg6[%dma_start3A_69, %dma_start3A_70, %dma_start3A_71] : memref<4x160x128xf32, #tpu.memory_space<vmem>> -> memref<1x80x128xf32, #tpu.memory_space<vmem>>
    %dma_start3A_73 = tpu.memref_squeeze %dma_start3A_72 : memref<1x80x128xf32, #tpu.memory_space<vmem>> -> memref<80x128xf32, #tpu.memory_space<vmem>>
    %dma_start3A_74 = arith.constant 0 : i32
    %dma_start3A_75 = tpu.memref_slice %arg5[%dma_start3A_68, %dma_start3A_74] : memref<320x80xi32, #tpu.memory_space<vmem>> -> memref<1x80xi32, #tpu.memory_space<vmem>>
    %dma_start3A_76 = tpu.memref_squeeze %dma_start3A_75 : memref<1x80xi32, #tpu.memory_space<vmem>> -> memref<80xi32, #tpu.memory_space<vmem>>
    %dma_start3A_77 = arith.constant 0 : i32
    %dma_start3A_78 = arith.constant 0 : i32
    %dma_start3A_79 = tpu.memref_slice %arg7[%dma_start3A_77, %dma_start3A_78] : memref<1000x128xf32, #tpu.memory_space<vmem_shared>> -> memref<1000x128xf32, #tpu.memory_space<vmem_shared>>
    tpu.enqueue_indirect_dma source(%dma_start3A_79 : memref<1000x128xf32, #tpu.memory_space<vmem_shared>>) target(%dma_start3A_73 : memref<80x128xf32, #tpu.memory_space<vmem>>) offsets(%dma_start3A_76 : memref<80xi32, #tpu.memory_space<vmem>>) semaphore(%arg10 : memref<!tpu.dma_semaphore, #tpu.memory_space<semaphore_mem>>)
    %dma_start3A_80 = arith.constant 6 : i32
    %dma_start3A_81 = arith.constant 3 : i32
    %dma_start3A_82 = arith.constant 0 : i32
    %dma_start3A_83 = arith.constant 0 : i32
    %dma_start3A_84 = tpu.memref_slice %arg6[%dma_start3A_81, %dma_start3A_82, %dma_start3A_83] : memref<4x160x128xf32, #tpu.memory_space<vmem>> -> memref<1x80x128xf32, #tpu.memory_space<vmem>>
    %dma_start3A_85 = tpu.memref_squeeze %dma_start3A_84 : memref<1x80x128xf32, #tpu.memory_space<vmem>> -> memref<80x128xf32, #tpu.memory_space<vmem>>
    %dma_start3A_86 = arith.constant 0 : i32
    %dma_start3A_87 = tpu.memref_slice %arg5[%dma_start3A_80, %dma_start3A_86] : memref<320x80xi32, #tpu.memory_space<vmem>> -> memref<1x80xi32, #tpu.memory_space<vmem>>
    %dma_start3A_88 = tpu.memref_squeeze %dma_start3A_87 : memref<1x80xi32, #tpu.memory_space<vmem>> -> memref<80xi32, #tpu.memory_space<vmem>>
    %dma_start3A_89 = arith.constant 0 : i32
    %dma_start3A_90 = arith.constant 0 : i32
    %dma_start3A_91 = tpu.memref_slice %arg7[%dma_start3A_89, %dma_start3A_90] : memref<1000x128xf32, #tpu.memory_space<vmem_shared>> -> memref<1000x128xf32, #tpu.memory_space<vmem_shared>>
    tpu.enqueue_indirect_dma source(%dma_start3A_91 : memref<1000x128xf32, #tpu.memory_space<vmem_shared>>) target(%dma_start3A_85 : memref<80x128xf32, #tpu.memory_space<vmem>>) offsets(%dma_start3A_88 : memref<80xi32, #tpu.memory_space<vmem>>) semaphore(%arg11 : memref<!tpu.dma_semaphore, #tpu.memory_space<semaphore_mem>>)
    %dma_start3A_92 = arith.constant 7 : i32
    %dma_start3A_93 = arith.constant 3 : i32
    %dma_start3A_94 = arith.constant 80 : i32
    %dma_start3A_95 = arith.constant 0 : i32
    %dma_start3A_96 = tpu.memref_slice %arg6[%dma_start3A_93, %dma_start3A_94, %dma_start3A_95] : memref<4x160x128xf32, #tpu.memory_space<vmem>> -> memref<1x80x128xf32, #tpu.memory_space<vmem>>
    %dma_start3A_97 = tpu.memref_squeeze %dma_start3A_96 : memref<1x80x128xf32, #tpu.memory_space<vmem>> -> memref<80x128xf32, #tpu.memory_space<vmem>>
    %dma_start3A_98 = arith.constant 0 : i32
    %dma_start3A_99 = tpu.memref_slice %arg5[%dma_start3A_92, %dma_start3A_98] : memref<320x80xi32, #tpu.memory_space<vmem>> -> memref<1x80xi32, #tpu.memory_space<vmem>>
    %dma_start3A_100 = tpu.memref_squeeze %dma_start3A_99 : memref<1x80xi32, #tpu.memory_space<vmem>> -> memref<80xi32, #tpu.memory_space<vmem>>
    %dma_start3A_101 = arith.constant 0 : i32
    %dma_start3A_102 = arith.constant 0 : i32
    %dma_start3A_103 = tpu.memref_slice %arg7[%dma_start3A_101, %dma_start3A_102] : memref<1000x128xf32, #tpu.memory_space<vmem_shared>> -> memref<1000x128xf32, #tpu.memory_space<vmem_shared>>
    tpu.enqueue_indirect_dma source(%dma_start3A_103 : memref<1000x128xf32, #tpu.memory_space<vmem_shared>>) target(%dma_start3A_97 : memref<80x128xf32, #tpu.memory_space<vmem>>) offsets(%dma_start3A_100 : memref<80xi32, #tpu.memory_space<vmem>>) semaphore(%arg11 : memref<!tpu.dma_semaphore, #tpu.memory_space<semaphore_mem>>)
    %scan3A = arith.constant 0 : i32
    %scan3A_104 = arith.constant 0 : i32
    %scan3A_105 = arith.constant 39 : i32
    %scan3A_106 = arith.addi %scan3A_104, %scan3A_105 : i32
    %scan3A_107 = arith.constant 1 : i32
    scf.for %scan3A_316 = %scan3A_104 to %scan3A_106 step %scan3A_107  : i32 {
      %mul3A_317 = arith.constant 4 : i32
      %mul3A_318 = arith.muli %mul3A_317, %scan3A_316 : i32
      %add3A_319 = arith.constant 0 : i32
      %add3A_320 = arith.addi %mul3A_318, %add3A_319 : i32
      %mul3A_321 = arith.constant 2 : i32
      %mul3A_322 = arith.muli %add3A_320, %mul3A_321 : i32
      %add3A_323 = arith.constant 0 : i32
      %add3A_324 = arith.addi %mul3A_322, %add3A_323 : i32
      %mul3A_325 = arith.constant 2 : i32
      %mul3A_326 = arith.muli %add3A_320, %mul3A_325 : i32
      %add3A_327 = arith.constant 1 : i32
      %add3A_328 = arith.addi %mul3A_326, %add3A_327 : i32
      %dma_wait3A_329 = arith.constant 0 : i32
      %dma_wait3A_330 = arith.constant 0 : i32
      %dma_wait3A_331 = arith.constant 0 : i32
      %dma_wait3A_332 = tpu.memref_slice %arg6[%dma_wait3A_329, %dma_wait3A_330, %dma_wait3A_331] : memref<4x160x128xf32, #tpu.memory_space<vmem>> -> memref<1x80x128xf32, #tpu.memory_space<vmem>>
      %dma_wait3A_333 = tpu.memref_squeeze %dma_wait3A_332 : memref<1x80x128xf32, #tpu.memory_space<vmem>> -> memref<80x128xf32, #tpu.memory_space<vmem>>
      %dma_wait3A_334 = arith.constant 0 : i32
      %dma_wait3A_335 = tpu.memref_slice %arg5[%add3A_324, %dma_wait3A_334] : memref<320x80xi32, #tpu.memory_space<vmem>> -> memref<1x80xi32, #tpu.memory_space<vmem>>
      %dma_wait3A_336 = tpu.memref_squeeze %dma_wait3A_335 : memref<1x80xi32, #tpu.memory_space<vmem>> -> memref<80xi32, #tpu.memory_space<vmem>>
      %dma_wait3A_337 = arith.constant 0 : i32
      %dma_wait3A_338 = arith.constant 0 : i32
      %dma_wait3A_339 = tpu.memref_slice %arg7[%dma_wait3A_337, %dma_wait3A_338] : memref<1000x128xf32, #tpu.memory_space<vmem_shared>> -> memref<1000x128xf32, #tpu.memory_space<vmem_shared>>
      tpu.wait_indirect_dma semaphore(%arg8 : memref<!tpu.dma_semaphore, #tpu.memory_space<semaphore_mem>>) src(%dma_wait3A_339 : memref<1000x128xf32, #tpu.memory_space<vmem_shared>>) dst(%dma_wait3A_333 : memref<80x128xf32, #tpu.memory_space<vmem>>)
      %dma_wait3A_340 = arith.constant 0 : i32
      %dma_wait3A_341 = arith.constant 80 : i32
      %dma_wait3A_342 = arith.constant 0 : i32
      %dma_wait3A_343 = tpu.memref_slice %arg6[%dma_wait3A_340, %dma_wait3A_341, %dma_wait3A_342] : memref<4x160x128xf32, #tpu.memory_space<vmem>> -> memref<1x80x128xf32, #tpu.memory_space<vmem>>
      %dma_wait3A_344 = tpu.memref_squeeze %dma_wait3A_343 : memref<1x80x128xf32, #tpu.memory_space<vmem>> -> memref<80x128xf32, #tpu.memory_space<vmem>>
      %dma_wait3A_345 = arith.constant 0 : i32
      %dma_wait3A_346 = tpu.memref_slice %arg5[%add3A_328, %dma_wait3A_345] : memref<320x80xi32, #tpu.memory_space<vmem>> -> memref<1x80xi32, #tpu.memory_space<vmem>>
      %dma_wait3A_347 = tpu.memref_squeeze %dma_wait3A_346 : memref<1x80xi32, #tpu.memory_space<vmem>> -> memref<80xi32, #tpu.memory_space<vmem>>
      %dma_wait3A_348 = arith.constant 0 : i32
      %dma_wait3A_349 = arith.constant 0 : i32
      %dma_wait3A_350 = tpu.memref_slice %arg7[%dma_wait3A_348, %dma_wait3A_349] : memref<1000x128xf32, #tpu.memory_space<vmem_shared>> -> memref<1000x128xf32, #tpu.memory_space<vmem_shared>>
      tpu.wait_indirect_dma semaphore(%arg8 : memref<!tpu.dma_semaphore, #tpu.memory_space<semaphore_mem>>) src(%dma_wait3A_350 : memref<1000x128xf32, #tpu.memory_space<vmem_shared>>) dst(%dma_wait3A_344 : memref<80x128xf32, #tpu.memory_space<vmem>>)
      %mul3A_351 = arith.constant 4 : i32
      %mul3A_352 = arith.muli %mul3A_351, %scan3A_316 : i32
      %add3A_353 = arith.constant 0 : i32
      %add3A_354 = arith.addi %mul3A_352, %add3A_353 : i32
      %mul3A_355 = arith.constant 160 : i32
      %mul3A_356 = arith.muli %add3A_354, %mul3A_355 : i32
      %add3A_357 = arith.addi %mul3A_2, %mul3A_356 : i32
      %dma_start3A_358 = arith.constant 0 : i32
      %dma_start3A_359 = arith.constant 0 : i32
      %dma_start3A_360 = arith.constant 0 : i32
      %dma_start3A_361 = tpu.memref_slice %arg6[%dma_start3A_358, %dma_start3A_359, %dma_start3A_360] : memref<4x160x128xf32, #tpu.memory_space<vmem>> -> memref<1x160x128xf32, #tpu.memory_space<vmem>>
      %dma_start3A_362 = tpu.memref_squeeze %dma_start3A_361 : memref<1x160x128xf32, #tpu.memory_space<vmem>> -> memref<160x128xf32, #tpu.memory_space<vmem>>
      %dma_start3A_363 = arith.constant 0 : i32
      %dma_start3A_364 = tpu.memref_slice %arg4[%add3A_357, %dma_start3A_363] : memref<819200x128xf32, #tpu.memory_space<hbm>> -> memref<160x128xf32, #tpu.memory_space<hbm>>
      %dma_start3A_365 = arith.constant 0 : i32
      %dma_start3A_366 = tpu.memref_slice %arg4[%add3A_357, %dma_start3A_365] : memref<819200x128xf32, #tpu.memory_space<hbm>> -> memref<160x128xf32, #tpu.memory_space<hbm>>
      %dma_start3A_367 = arith.constant 0 : i32
      %dma_start3A_368 = arith.constant 0 : i32
      %dma_start3A_369 = tpu.memref_slice %arg6[%dma_start3A_358, %dma_start3A_367, %dma_start3A_368] : memref<4x160x128xf32, #tpu.memory_space<vmem>> -> memref<1x160x128xf32, #tpu.memory_space<vmem>>
      %dma_start3A_370 = tpu.memref_squeeze %dma_start3A_369 : memref<1x160x128xf32, #tpu.memory_space<vmem>> -> memref<160x128xf32, #tpu.memory_space<vmem>>
      tpu.enqueue_dma source(%dma_start3A_370 : memref<160x128xf32, #tpu.memory_space<vmem>>) target(%dma_start3A_366 : memref<160x128xf32, #tpu.memory_space<hbm>>) target_semaphore(%arg12 : memref<!tpu.dma_semaphore, #tpu.memory_space<semaphore_mem>>)
      %mul3A_371 = arith.constant 4 : i32
      %mul3A_372 = arith.muli %mul3A_371, %scan3A_316 : i32
      %add3A_373 = arith.constant 1 : i32
      %add3A_374 = arith.addi %mul3A_372, %add3A_373 : i32
      %mul3A_375 = arith.constant 2 : i32
      %mul3A_376 = arith.muli %add3A_374, %mul3A_375 : i32
      %add3A_377 = arith.constant 0 : i32
      %add3A_378 = arith.addi %mul3A_376, %add3A_377 : i32
      %mul3A_379 = arith.constant 2 : i32
      %mul3A_380 = arith.muli %add3A_374, %mul3A_379 : i32
      %add3A_381 = arith.constant 1 : i32
      %add3A_382 = arith.addi %mul3A_380, %add3A_381 : i32
      %dma_wait3A_383 = arith.constant 1 : i32
      %dma_wait3A_384 = arith.constant 0 : i32
      %dma_wait3A_385 = arith.constant 0 : i32
      %dma_wait3A_386 = tpu.memref_slice %arg6[%dma_wait3A_383, %dma_wait3A_384, %dma_wait3A_385] : memref<4x160x128xf32, #tpu.memory_space<vmem>> -> memref<1x80x128xf32, #tpu.memory_space<vmem>>
      %dma_wait3A_387 = tpu.memref_squeeze %dma_wait3A_386 : memref<1x80x128xf32, #tpu.memory_space<vmem>> -> memref<80x128xf32, #tpu.memory_space<vmem>>
      %dma_wait3A_388 = arith.constant 0 : i32
      %dma_wait3A_389 = tpu.memref_slice %arg5[%add3A_378, %dma_wait3A_388] : memref<320x80xi32, #tpu.memory_space<vmem>> -> memref<1x80xi32, #tpu.memory_space<vmem>>
      %dma_wait3A_390 = tpu.memref_squeeze %dma_wait3A_389 : memref<1x80xi32, #tpu.memory_space<vmem>> -> memref<80xi32, #tpu.memory_space<vmem>>
      %dma_wait3A_391 = arith.constant 0 : i32
      %dma_wait3A_392 = arith.constant 0 : i32
      %dma_wait3A_393 = tpu.memref_slice %arg7[%dma_wait3A_391, %dma_wait3A_392] : memref<1000x128xf32, #tpu.memory_space<vmem_shared>> -> memref<1000x128xf32, #tpu.memory_space<vmem_shared>>
      tpu.wait_indirect_dma semaphore(%arg9 : memref<!tpu.dma_semaphore, #tpu.memory_space<semaphore_mem>>) src(%dma_wait3A_393 : memref<1000x128xf32, #tpu.memory_space<vmem_shared>>) dst(%dma_wait3A_387 : memref<80x128xf32, #tpu.memory_space<vmem>>)
      %dma_wait3A_394 = arith.constant 1 : i32
      %dma_wait3A_395 = arith.constant 80 : i32
      %dma_wait3A_396 = arith.constant 0 : i32
      %dma_wait3A_397 = tpu.memref_slice %arg6[%dma_wait3A_394, %dma_wait3A_395, %dma_wait3A_396] : memref<4x160x128xf32, #tpu.memory_space<vmem>> -> memref<1x80x128xf32, #tpu.memory_space<vmem>>
      %dma_wait3A_398 = tpu.memref_squeeze %dma_wait3A_397 : memref<1x80x128xf32, #tpu.memory_space<vmem>> -> memref<80x128xf32, #tpu.memory_space<vmem>>
      %dma_wait3A_399 = arith.constant 0 : i32
      %dma_wait3A_400 = tpu.memref_slice %arg5[%add3A_382, %dma_wait3A_399] : memref<320x80xi32, #tpu.memory_space<vmem>> -> memref<1x80xi32, #tpu.memory_space<vmem>>
      %dma_wait3A_401 = tpu.memref_squeeze %dma_wait3A_400 : memref<1x80xi32, #tpu.memory_space<vmem>> -> memref<80xi32, #tpu.memory_space<vmem>>
      %dma_wait3A_402 = arith.constant 0 : i32
      %dma_wait3A_403 = arith.constant 0 : i32
      %dma_wait3A_404 = tpu.memref_slice %arg7[%dma_wait3A_402, %dma_wait3A_403] : memref<1000x128xf32, #tpu.memory_space<vmem_shared>> -> memref<1000x128xf32, #tpu.memory_space<vmem_shared>>
      tpu.wait_indirect_dma semaphore(%arg9 : memref<!tpu.dma_semaphore, #tpu.memory_space<semaphore_mem>>) src(%dma_wait3A_404 : memref<1000x128xf32, #tpu.memory_space<vmem_shared>>) dst(%dma_wait3A_398 : memref<80x128xf32, #tpu.memory_space<vmem>>)
      %mul3A_405 = arith.constant 4 : i32
      %mul3A_406 = arith.muli %mul3A_405, %scan3A_316 : i32
      %add3A_407 = arith.constant 1 : i32
      %add3A_408 = arith.addi %mul3A_406, %add3A_407 : i32
      %mul3A_409 = arith.constant 160 : i32
      %mul3A_410 = arith.muli %add3A_408, %mul3A_409 : i32
      %add3A_411 = arith.addi %mul3A_2, %mul3A_410 : i32
      %dma_start3A_412 = arith.constant 1 : i32
      %dma_start3A_413 = arith.constant 0 : i32
      %dma_start3A_414 = arith.constant 0 : i32
      %dma_start3A_415 = tpu.memref_slice %arg6[%dma_start3A_412, %dma_start3A_413, %dma_start3A_414] : memref<4x160x128xf32, #tpu.memory_space<vmem>> -> memref<1x160x128xf32, #tpu.memory_space<vmem>>
      %dma_start3A_416 = tpu.memref_squeeze %dma_start3A_415 : memref<1x160x128xf32, #tpu.memory_space<vmem>> -> memref<160x128xf32, #tpu.memory_space<vmem>>
      %dma_start3A_417 = arith.constant 0 : i32
      %dma_start3A_418 = tpu.memref_slice %arg4[%add3A_411, %dma_start3A_417] : memref<819200x128xf32, #tpu.memory_space<hbm>> -> memref<160x128xf32, #tpu.memory_space<hbm>>
      %dma_start3A_419 = arith.constant 0 : i32
      %dma_start3A_420 = tpu.memref_slice %arg4[%add3A_411, %dma_start3A_419] : memref<819200x128xf32, #tpu.memory_space<hbm>> -> memref<160x128xf32, #tpu.memory_space<hbm>>
      %dma_start3A_421 = arith.constant 0 : i32
      %dma_start3A_422 = arith.constant 0 : i32
      %dma_start3A_423 = tpu.memref_slice %arg6[%dma_start3A_412, %dma_start3A_421, %dma_start3A_422] : memref<4x160x128xf32, #tpu.memory_space<vmem>> -> memref<1x160x128xf32, #tpu.memory_space<vmem>>
      %dma_start3A_424 = tpu.memref_squeeze %dma_start3A_423 : memref<1x160x128xf32, #tpu.memory_space<vmem>> -> memref<160x128xf32, #tpu.memory_space<vmem>>
      tpu.enqueue_dma source(%dma_start3A_424 : memref<160x128xf32, #tpu.memory_space<vmem>>) target(%dma_start3A_420 : memref<160x128xf32, #tpu.memory_space<hbm>>) target_semaphore(%arg13 : memref<!tpu.dma_semaphore, #tpu.memory_space<semaphore_mem>>)
      %mul3A_425 = arith.constant 4 : i32
      %mul3A_426 = arith.muli %mul3A_425, %scan3A_316 : i32
      %add3A_427 = arith.constant 2 : i32
      %add3A_428 = arith.addi %mul3A_426, %add3A_427 : i32
      %mul3A_429 = arith.constant 2 : i32
      %mul3A_430 = arith.muli %add3A_428, %mul3A_429 : i32
      %add3A_431 = arith.constant 0 : i32
      %add3A_432 = arith.addi %mul3A_430, %add3A_431 : i32
      %mul3A_433 = arith.constant 2 : i32
      %mul3A_434 = arith.muli %add3A_428, %mul3A_433 : i32
      %add3A_435 = arith.constant 1 : i32
      %add3A_436 = arith.addi %mul3A_434, %add3A_435 : i32
      %dma_wait3A_437 = arith.constant 2 : i32
      %dma_wait3A_438 = arith.constant 0 : i32
      %dma_wait3A_439 = arith.constant 0 : i32
      %dma_wait3A_440 = tpu.memref_slice %arg6[%dma_wait3A_437, %dma_wait3A_438, %dma_wait3A_439] : memref<4x160x128xf32, #tpu.memory_space<vmem>> -> memref<1x80x128xf32, #tpu.memory_space<vmem>>
      %dma_wait3A_441 = tpu.memref_squeeze %dma_wait3A_440 : memref<1x80x128xf32, #tpu.memory_space<vmem>> -> memref<80x128xf32, #tpu.memory_space<vmem>>
      %dma_wait3A_442 = arith.constant 0 : i32
      %dma_wait3A_443 = tpu.memref_slice %arg5[%add3A_432, %dma_wait3A_442] : memref<320x80xi32, #tpu.memory_space<vmem>> -> memref<1x80xi32, #tpu.memory_space<vmem>>
      %dma_wait3A_444 = tpu.memref_squeeze %dma_wait3A_443 : memref<1x80xi32, #tpu.memory_space<vmem>> -> memref<80xi32, #tpu.memory_space<vmem>>
      %dma_wait3A_445 = arith.constant 0 : i32
      %dma_wait3A_446 = arith.constant 0 : i32
      %dma_wait3A_447 = tpu.memref_slice %arg7[%dma_wait3A_445, %dma_wait3A_446] : memref<1000x128xf32, #tpu.memory_space<vmem_shared>> -> memref<1000x128xf32, #tpu.memory_space<vmem_shared>>
      tpu.wait_indirect_dma semaphore(%arg10 : memref<!tpu.dma_semaphore, #tpu.memory_space<semaphore_mem>>) src(%dma_wait3A_447 : memref<1000x128xf32, #tpu.memory_space<vmem_shared>>) dst(%dma_wait3A_441 : memref<80x128xf32, #tpu.memory_space<vmem>>)
      %dma_wait3A_448 = arith.constant 2 : i32
      %dma_wait3A_449 = arith.constant 80 : i32
      %dma_wait3A_450 = arith.constant 0 : i32
      %dma_wait3A_451 = tpu.memref_slice %arg6[%dma_wait3A_448, %dma_wait3A_449, %dma_wait3A_450] : memref<4x160x128xf32, #tpu.memory_space<vmem>> -> memref<1x80x128xf32, #tpu.memory_space<vmem>>
      %dma_wait3A_452 = tpu.memref_squeeze %dma_wait3A_451 : memref<1x80x128xf32, #tpu.memory_space<vmem>> -> memref<80x128xf32, #tpu.memory_space<vmem>>
      %dma_wait3A_453 = arith.constant 0 : i32
      %dma_wait3A_454 = tpu.memref_slice %arg5[%add3A_436, %dma_wait3A_453] : memref<320x80xi32, #tpu.memory_space<vmem>> -> memref<1x80xi32, #tpu.memory_space<vmem>>
      %dma_wait3A_455 = tpu.memref_squeeze %dma_wait3A_454 : memref<1x80xi32, #tpu.memory_space<vmem>> -> memref<80xi32, #tpu.memory_space<vmem>>
      %dma_wait3A_456 = arith.constant 0 : i32
      %dma_wait3A_457 = arith.constant 0 : i32
      %dma_wait3A_458 = tpu.memref_slice %arg7[%dma_wait3A_456, %dma_wait3A_457] : memref<1000x128xf32, #tpu.memory_space<vmem_shared>> -> memref<1000x128xf32, #tpu.memory_space<vmem_shared>>
      tpu.wait_indirect_dma semaphore(%arg10 : memref<!tpu.dma_semaphore, #tpu.memory_space<semaphore_mem>>) src(%dma_wait3A_458 : memref<1000x128xf32, #tpu.memory_space<vmem_shared>>) dst(%dma_wait3A_452 : memref<80x128xf32, #tpu.memory_space<vmem>>)
      %mul3A_459 = arith.constant 4 : i32
      %mul3A_460 = arith.muli %mul3A_459, %scan3A_316 : i32
      %add3A_461 = arith.constant 2 : i32
      %add3A_462 = arith.addi %mul3A_460, %add3A_461 : i32
      %mul3A_463 = arith.constant 160 : i32
      %mul3A_464 = arith.muli %add3A_462, %mul3A_463 : i32
      %add3A_465 = arith.addi %mul3A_2, %mul3A_464 : i32
      %dma_start3A_466 = arith.constant 2 : i32
      %dma_start3A_467 = arith.constant 0 : i32
      %dma_start3A_468 = arith.constant 0 : i32
      %dma_start3A_469 = tpu.memref_slice %arg6[%dma_start3A_466, %dma_start3A_467, %dma_start3A_468] : memref<4x160x128xf32, #tpu.memory_space<vmem>> -> memref<1x160x128xf32, #tpu.memory_space<vmem>>
      %dma_start3A_470 = tpu.memref_squeeze %dma_start3A_469 : memref<1x160x128xf32, #tpu.memory_space<vmem>> -> memref<160x128xf32, #tpu.memory_space<vmem>>
      %dma_start3A_471 = arith.constant 0 : i32
      %dma_start3A_472 = tpu.memref_slice %arg4[%add3A_465, %dma_start3A_471] : memref<819200x128xf32, #tpu.memory_space<hbm>> -> memref<160x128xf32, #tpu.memory_space<hbm>>
      %dma_start3A_473 = arith.constant 0 : i32
      %dma_start3A_474 = tpu.memref_slice %arg4[%add3A_465, %dma_start3A_473] : memref<819200x128xf32, #tpu.memory_space<hbm>> -> memref<160x128xf32, #tpu.memory_space<hbm>>
      %dma_start3A_475 = arith.constant 0 : i32
      %dma_start3A_476 = arith.constant 0 : i32
      %dma_start3A_477 = tpu.memref_slice %arg6[%dma_start3A_466, %dma_start3A_475, %dma_start3A_476] : memref<4x160x128xf32, #tpu.memory_space<vmem>> -> memref<1x160x128xf32, #tpu.memory_space<vmem>>
      %dma_start3A_478 = tpu.memref_squeeze %dma_start3A_477 : memref<1x160x128xf32, #tpu.memory_space<vmem>> -> memref<160x128xf32, #tpu.memory_space<vmem>>
      tpu.enqueue_dma source(%dma_start3A_478 : memref<160x128xf32, #tpu.memory_space<vmem>>) target(%dma_start3A_474 : memref<160x128xf32, #tpu.memory_space<hbm>>) target_semaphore(%arg14 : memref<!tpu.dma_semaphore, #tpu.memory_space<semaphore_mem>>)
      %mul3A_479 = arith.constant 4 : i32
      %mul3A_480 = arith.muli %mul3A_479, %scan3A_316 : i32
      %add3A_481 = arith.constant 3 : i32
      %add3A_482 = arith.addi %mul3A_480, %add3A_481 : i32
      %mul3A_483 = arith.constant 2 : i32
      %mul3A_484 = arith.muli %add3A_482, %mul3A_483 : i32
      %add3A_485 = arith.constant 0 : i32
      %add3A_486 = arith.addi %mul3A_484, %add3A_485 : i32
      %mul3A_487 = arith.constant 2 : i32
      %mul3A_488 = arith.muli %add3A_482, %mul3A_487 : i32
      %add3A_489 = arith.constant 1 : i32
      %add3A_490 = arith.addi %mul3A_488, %add3A_489 : i32
      %dma_wait3A_491 = arith.constant 3 : i32
      %dma_wait3A_492 = arith.constant 0 : i32
      %dma_wait3A_493 = arith.constant 0 : i32
      %dma_wait3A_494 = tpu.memref_slice %arg6[%dma_wait3A_491, %dma_wait3A_492, %dma_wait3A_493] : memref<4x160x128xf32, #tpu.memory_space<vmem>> -> memref<1x80x128xf32, #tpu.memory_space<vmem>>
      %dma_wait3A_495 = tpu.memref_squeeze %dma_wait3A_494 : memref<1x80x128xf32, #tpu.memory_space<vmem>> -> memref<80x128xf32, #tpu.memory_space<vmem>>
      %dma_wait3A_496 = arith.constant 0 : i32
      %dma_wait3A_497 = tpu.memref_slice %arg5[%add3A_486, %dma_wait3A_496] : memref<320x80xi32, #tpu.memory_space<vmem>> -> memref<1x80xi32, #tpu.memory_space<vmem>>
      %dma_wait3A_498 = tpu.memref_squeeze %dma_wait3A_497 : memref<1x80xi32, #tpu.memory_space<vmem>> -> memref<80xi32, #tpu.memory_space<vmem>>
      %dma_wait3A_499 = arith.constant 0 : i32
      %dma_wait3A_500 = arith.constant 0 : i32
      %dma_wait3A_501 = tpu.memref_slice %arg7[%dma_wait3A_499, %dma_wait3A_500] : memref<1000x128xf32, #tpu.memory_space<vmem_shared>> -> memref<1000x128xf32, #tpu.memory_space<vmem_shared>>
      tpu.wait_indirect_dma semaphore(%arg11 : memref<!tpu.dma_semaphore, #tpu.memory_space<semaphore_mem>>) src(%dma_wait3A_501 : memref<1000x128xf32, #tpu.memory_space<vmem_shared>>) dst(%dma_wait3A_495 : memref<80x128xf32, #tpu.memory_space<vmem>>)
      %dma_wait3A_502 = arith.constant 3 : i32
      %dma_wait3A_503 = arith.constant 80 : i32
      %dma_wait3A_504 = arith.constant 0 : i32
      %dma_wait3A_505 = tpu.memref_slice %arg6[%dma_wait3A_502, %dma_wait3A_503, %dma_wait3A_504] : memref<4x160x128xf32, #tpu.memory_space<vmem>> -> memref<1x80x128xf32, #tpu.memory_space<vmem>>
      %dma_wait3A_506 = tpu.memref_squeeze %dma_wait3A_505 : memref<1x80x128xf32, #tpu.memory_space<vmem>> -> memref<80x128xf32, #tpu.memory_space<vmem>>
      %dma_wait3A_507 = arith.constant 0 : i32
      %dma_wait3A_508 = tpu.memref_slice %arg5[%add3A_490, %dma_wait3A_507] : memref<320x80xi32, #tpu.memory_space<vmem>> -> memref<1x80xi32, #tpu.memory_space<vmem>>
      %dma_wait3A_509 = tpu.memref_squeeze %dma_wait3A_508 : memref<1x80xi32, #tpu.memory_space<vmem>> -> memref<80xi32, #tpu.memory_space<vmem>>
      %dma_wait3A_510 = arith.constant 0 : i32
      %dma_wait3A_511 = arith.constant 0 : i32
      %dma_wait3A_512 = tpu.memref_slice %arg7[%dma_wait3A_510, %dma_wait3A_511] : memref<1000x128xf32, #tpu.memory_space<vmem_shared>> -> memref<1000x128xf32, #tpu.memory_space<vmem_shared>>
      tpu.wait_indirect_dma semaphore(%arg11 : memref<!tpu.dma_semaphore, #tpu.memory_space<semaphore_mem>>) src(%dma_wait3A_512 : memref<1000x128xf32, #tpu.memory_space<vmem_shared>>) dst(%dma_wait3A_506 : memref<80x128xf32, #tpu.memory_space<vmem>>)
      %mul3A_513 = arith.constant 4 : i32
      %mul3A_514 = arith.muli %mul3A_513, %scan3A_316 : i32
      %add3A_515 = arith.constant 3 : i32
      %add3A_516 = arith.addi %mul3A_514, %add3A_515 : i32
      %mul3A_517 = arith.constant 160 : i32
      %mul3A_518 = arith.muli %add3A_516, %mul3A_517 : i32
      %add3A_519 = arith.addi %mul3A_2, %mul3A_518 : i32
      %dma_start3A_520 = arith.constant 3 : i32
      %dma_start3A_521 = arith.constant 0 : i32
      %dma_start3A_522 = arith.constant 0 : i32
      %dma_start3A_523 = tpu.memref_slice %arg6[%dma_start3A_520, %dma_start3A_521, %dma_start3A_522] : memref<4x160x128xf32, #tpu.memory_space<vmem>> -> memref<1x160x128xf32, #tpu.memory_space<vmem>>
      %dma_start3A_524 = tpu.memref_squeeze %dma_start3A_523 : memref<1x160x128xf32, #tpu.memory_space<vmem>> -> memref<160x128xf32, #tpu.memory_space<vmem>>
      %dma_start3A_525 = arith.constant 0 : i32
      %dma_start3A_526 = tpu.memref_slice %arg4[%add3A_519, %dma_start3A_525] : memref<819200x128xf32, #tpu.memory_space<hbm>> -> memref<160x128xf32, #tpu.memory_space<hbm>>
      %dma_start3A_527 = arith.constant 0 : i32
      %dma_start3A_528 = tpu.memref_slice %arg4[%add3A_519, %dma_start3A_527] : memref<819200x128xf32, #tpu.memory_space<hbm>> -> memref<160x128xf32, #tpu.memory_space<hbm>>
      %dma_start3A_529 = arith.constant 0 : i32
      %dma_start3A_530 = arith.constant 0 : i32
      %dma_start3A_531 = tpu.memref_slice %arg6[%dma_start3A_520, %dma_start3A_529, %dma_start3A_530] : memref<4x160x128xf32, #tpu.memory_space<vmem>> -> memref<1x160x128xf32, #tpu.memory_space<vmem>>
      %dma_start3A_532 = tpu.memref_squeeze %dma_start3A_531 : memref<1x160x128xf32, #tpu.memory_space<vmem>> -> memref<160x128xf32, #tpu.memory_space<vmem>>
      tpu.enqueue_dma source(%dma_start3A_532 : memref<160x128xf32, #tpu.memory_space<vmem>>) target(%dma_start3A_528 : memref<160x128xf32, #tpu.memory_space<hbm>>) target_semaphore(%arg15 : memref<!tpu.dma_semaphore, #tpu.memory_space<semaphore_mem>>)
      %mul3A_533 = arith.constant 4 : i32
      %mul3A_534 = arith.muli %mul3A_533, %scan3A_316 : i32
      %add3A_535 = arith.constant 0 : i32
      %add3A_536 = arith.addi %mul3A_534, %add3A_535 : i32
      %mul3A_537 = arith.constant 160 : i32
      %mul3A_538 = arith.muli %add3A_536, %mul3A_537 : i32
      %add3A_539 = arith.addi %mul3A_2, %mul3A_538 : i32
      %dma_wait3A_540 = arith.constant 0 : i32
      %dma_wait3A_541 = arith.constant 0 : i32
      %dma_wait3A_542 = arith.constant 0 : i32
      %dma_wait3A_543 = tpu.memref_slice %arg6[%dma_wait3A_540, %dma_wait3A_541, %dma_wait3A_542] : memref<4x160x128xf32, #tpu.memory_space<vmem>> -> memref<1x160x128xf32, #tpu.memory_space<vmem>>
      %dma_wait3A_544 = tpu.memref_squeeze %dma_wait3A_543 : memref<1x160x128xf32, #tpu.memory_space<vmem>> -> memref<160x128xf32, #tpu.memory_space<vmem>>
      %dma_wait3A_545 = arith.constant 0 : i32
      %dma_wait3A_546 = tpu.memref_slice %arg4[%add3A_539, %dma_wait3A_545] : memref<819200x128xf32, #tpu.memory_space<hbm>> -> memref<160x128xf32, #tpu.memory_space<hbm>>
      %dma_wait3A_547 = arith.constant 0 : i32
      %dma_wait3A_548 = tpu.memref_slice %arg4[%add3A_539, %dma_wait3A_547] : memref<819200x128xf32, #tpu.memory_space<hbm>> -> memref<160x128xf32, #tpu.memory_space<hbm>>
      %dma_wait3A_549 = arith.constant 0 : i32
      %dma_wait3A_550 = arith.constant 0 : i32
      %dma_wait3A_551 = tpu.memref_slice %arg6[%dma_wait3A_540, %dma_wait3A_549, %dma_wait3A_550] : memref<4x160x128xf32, #tpu.memory_space<vmem>> -> memref<1x160x128xf32, #tpu.memory_space<vmem>>
      %dma_wait3A_552 = tpu.memref_squeeze %dma_wait3A_551 : memref<1x160x128xf32, #tpu.memory_space<vmem>> -> memref<160x128xf32, #tpu.memory_space<vmem>>
      tpu.wait_dma2 semaphore(%arg12 : memref<!tpu.dma_semaphore, #tpu.memory_space<semaphore_mem>>) src(%dma_wait3A_552 : memref<160x128xf32, #tpu.memory_space<vmem>>) dst(%dma_wait3A_548 : memref<160x128xf32, #tpu.memory_space<hbm>>)
      %add3A_553 = arith.constant 1 : i32
      %add3A_554 = arith.addi %scan3A_316, %add3A_553 : i32
      %mul3A_555 = arith.constant 4 : i32
      %mul3A_556 = arith.muli %mul3A_555, %add3A_554 : i32
      %add3A_557 = arith.constant 0 : i32
      %add3A_558 = arith.addi %mul3A_556, %add3A_557 : i32
      %mul3A_559 = arith.constant 2 : i32
      %mul3A_560 = arith.muli %add3A_558, %mul3A_559 : i32
      %add3A_561 = arith.constant 0 : i32
      %add3A_562 = arith.addi %mul3A_560, %add3A_561 : i32
      %mul3A_563 = arith.constant 2 : i32
      %mul3A_564 = arith.muli %add3A_558, %mul3A_563 : i32
      %add3A_565 = arith.constant 1 : i32
      %add3A_566 = arith.addi %mul3A_564, %add3A_565 : i32
      %dma_start3A_567 = arith.constant 0 : i32
      %dma_start3A_568 = arith.constant 0 : i32
      %dma_start3A_569 = arith.constant 0 : i32
      %dma_start3A_570 = tpu.memref_slice %arg6[%dma_start3A_567, %dma_start3A_568, %dma_start3A_569] : memref<4x160x128xf32, #tpu.memory_space<vmem>> -> memref<1x80x128xf32, #tpu.memory_space<vmem>>
      %dma_start3A_571 = tpu.memref_squeeze %dma_start3A_570 : memref<1x80x128xf32, #tpu.memory_space<vmem>> -> memref<80x128xf32, #tpu.memory_space<vmem>>
      %dma_start3A_572 = arith.constant 0 : i32
      %dma_start3A_573 = tpu.memref_slice %arg5[%add3A_562, %dma_start3A_572] : memref<320x80xi32, #tpu.memory_space<vmem>> -> memref<1x80xi32, #tpu.memory_space<vmem>>
      %dma_start3A_574 = tpu.memref_squeeze %dma_start3A_573 : memref<1x80xi32, #tpu.memory_space<vmem>> -> memref<80xi32, #tpu.memory_space<vmem>>
      %dma_start3A_575 = arith.constant 0 : i32
      %dma_start3A_576 = arith.constant 0 : i32
      %dma_start3A_577 = tpu.memref_slice %arg7[%dma_start3A_575, %dma_start3A_576] : memref<1000x128xf32, #tpu.memory_space<vmem_shared>> -> memref<1000x128xf32, #tpu.memory_space<vmem_shared>>
      tpu.enqueue_indirect_dma source(%dma_start3A_577 : memref<1000x128xf32, #tpu.memory_space<vmem_shared>>) target(%dma_start3A_571 : memref<80x128xf32, #tpu.memory_space<vmem>>) offsets(%dma_start3A_574 : memref<80xi32, #tpu.memory_space<vmem>>) semaphore(%arg8 : memref<!tpu.dma_semaphore, #tpu.memory_space<semaphore_mem>>)
      %dma_start3A_578 = arith.constant 0 : i32
      %dma_start3A_579 = arith.constant 80 : i32
      %dma_start3A_580 = arith.constant 0 : i32
      %dma_start3A_581 = tpu.memref_slice %arg6[%dma_start3A_578, %dma_start3A_579, %dma_start3A_580] : memref<4x160x128xf32, #tpu.memory_space<vmem>> -> memref<1x80x128xf32, #tpu.memory_space<vmem>>
      %dma_start3A_582 = tpu.memref_squeeze %dma_start3A_581 : memref<1x80x128xf32, #tpu.memory_space<vmem>> -> memref<80x128xf32, #tpu.memory_space<vmem>>
      %dma_start3A_583 = arith.constant 0 : i32
      %dma_start3A_584 = tpu.memref_slice %arg5[%add3A_566, %dma_start3A_583] : memref<320x80xi32, #tpu.memory_space<vmem>> -> memref<1x80xi32, #tpu.memory_space<vmem>>
      %dma_start3A_585 = tpu.memref_squeeze %dma_start3A_584 : memref<1x80xi32, #tpu.memory_space<vmem>> -> memref<80xi32, #tpu.memory_space<vmem>>
      %dma_start3A_586 = arith.constant 0 : i32
      %dma_start3A_587 = arith.constant 0 : i32
      %dma_start3A_588 = tpu.memref_slice %arg7[%dma_start3A_586, %dma_start3A_587] : memref<1000x128xf32, #tpu.memory_space<vmem_shared>> -> memref<1000x128xf32, #tpu.memory_space<vmem_shared>>
      tpu.enqueue_indirect_dma source(%dma_start3A_588 : memref<1000x128xf32, #tpu.memory_space<vmem_shared>>) target(%dma_start3A_582 : memref<80x128xf32, #tpu.memory_space<vmem>>) offsets(%dma_start3A_585 : memref<80xi32, #tpu.memory_space<vmem>>) semaphore(%arg8 : memref<!tpu.dma_semaphore, #tpu.memory_space<semaphore_mem>>)
      %mul3A_589 = arith.constant 4 : i32
      %mul3A_590 = arith.muli %mul3A_589, %scan3A_316 : i32
      %add3A_591 = arith.constant 1 : i32
      %add3A_592 = arith.addi %mul3A_590, %add3A_591 : i32
      %mul3A_593 = arith.constant 160 : i32
      %mul3A_594 = arith.muli %add3A_592, %mul3A_593 : i32
      %add3A_595 = arith.addi %mul3A_2, %mul3A_594 : i32
      %dma_wait3A_596 = arith.constant 1 : i32
      %dma_wait3A_597 = arith.constant 0 : i32
      %dma_wait3A_598 = arith.constant 0 : i32
      %dma_wait3A_599 = tpu.memref_slice %arg6[%dma_wait3A_596, %dma_wait3A_597, %dma_wait3A_598] : memref<4x160x128xf32, #tpu.memory_space<vmem>> -> memref<1x160x128xf32, #tpu.memory_space<vmem>>
      %dma_wait3A_600 = tpu.memref_squeeze %dma_wait3A_599 : memref<1x160x128xf32, #tpu.memory_space<vmem>> -> memref<160x128xf32, #tpu.memory_space<vmem>>
      %dma_wait3A_601 = arith.constant 0 : i32
      %dma_wait3A_602 = tpu.memref_slice %arg4[%add3A_595, %dma_wait3A_601] : memref<819200x128xf32, #tpu.memory_space<hbm>> -> memref<160x128xf32, #tpu.memory_space<hbm>>
      %dma_wait3A_603 = arith.constant 0 : i32
      %dma_wait3A_604 = tpu.memref_slice %arg4[%add3A_595, %dma_wait3A_603] : memref<819200x128xf32, #tpu.memory_space<hbm>> -> memref<160x128xf32, #tpu.memory_space<hbm>>
      %dma_wait3A_605 = arith.constant 0 : i32
      %dma_wait3A_606 = arith.constant 0 : i32
      %dma_wait3A_607 = tpu.memref_slice %arg6[%dma_wait3A_596, %dma_wait3A_605, %dma_wait3A_606] : memref<4x160x128xf32, #tpu.memory_space<vmem>> -> memref<1x160x128xf32, #tpu.memory_space<vmem>>
      %dma_wait3A_608 = tpu.memref_squeeze %dma_wait3A_607 : memref<1x160x128xf32, #tpu.memory_space<vmem>> -> memref<160x128xf32, #tpu.memory_space<vmem>>
      tpu.wait_dma2 semaphore(%arg13 : memref<!tpu.dma_semaphore, #tpu.memory_space<semaphore_mem>>) src(%dma_wait3A_608 : memref<160x128xf32, #tpu.memory_space<vmem>>) dst(%dma_wait3A_604 : memref<160x128xf32, #tpu.memory_space<hbm>>)
      %add3A_609 = arith.constant 1 : i32
      %add3A_610 = arith.addi %scan3A_316, %add3A_609 : i32
      %mul3A_611 = arith.constant 4 : i32
      %mul3A_612 = arith.muli %mul3A_611, %add3A_610 : i32
      %add3A_613 = arith.constant 1 : i32
      %add3A_614 = arith.addi %mul3A_612, %add3A_613 : i32
      %mul3A_615 = arith.constant 2 : i32
      %mul3A_616 = arith.muli %add3A_614, %mul3A_615 : i32
      %add3A_617 = arith.constant 0 : i32
      %add3A_618 = arith.addi %mul3A_616, %add3A_617 : i32
      %mul3A_619 = arith.constant 2 : i32
      %mul3A_620 = arith.muli %add3A_614, %mul3A_619 : i32
      %add3A_621 = arith.constant 1 : i32
      %add3A_622 = arith.addi %mul3A_620, %add3A_621 : i32
      %dma_start3A_623 = arith.constant 1 : i32
      %dma_start3A_624 = arith.constant 0 : i32
      %dma_start3A_625 = arith.constant 0 : i32
      %dma_start3A_626 = tpu.memref_slice %arg6[%dma_start3A_623, %dma_start3A_624, %dma_start3A_625] : memref<4x160x128xf32, #tpu.memory_space<vmem>> -> memref<1x80x128xf32, #tpu.memory_space<vmem>>
      %dma_start3A_627 = tpu.memref_squeeze %dma_start3A_626 : memref<1x80x128xf32, #tpu.memory_space<vmem>> -> memref<80x128xf32, #tpu.memory_space<vmem>>
      %dma_start3A_628 = arith.constant 0 : i32
      %dma_start3A_629 = tpu.memref_slice %arg5[%add3A_618, %dma_start3A_628] : memref<320x80xi32, #tpu.memory_space<vmem>> -> memref<1x80xi32, #tpu.memory_space<vmem>>
      %dma_start3A_630 = tpu.memref_squeeze %dma_start3A_629 : memref<1x80xi32, #tpu.memory_space<vmem>> -> memref<80xi32, #tpu.memory_space<vmem>>
      %dma_start3A_631 = arith.constant 0 : i32
      %dma_start3A_632 = arith.constant 0 : i32
      %dma_start3A_633 = tpu.memref_slice %arg7[%dma_start3A_631, %dma_start3A_632] : memref<1000x128xf32, #tpu.memory_space<vmem_shared>> -> memref<1000x128xf32, #tpu.memory_space<vmem_shared>>
      tpu.enqueue_indirect_dma source(%dma_start3A_633 : memref<1000x128xf32, #tpu.memory_space<vmem_shared>>) target(%dma_start3A_627 : memref<80x128xf32, #tpu.memory_space<vmem>>) offsets(%dma_start3A_630 : memref<80xi32, #tpu.memory_space<vmem>>) semaphore(%arg9 : memref<!tpu.dma_semaphore, #tpu.memory_space<semaphore_mem>>)
      %dma_start3A_634 = arith.constant 1 : i32
      %dma_start3A_635 = arith.constant 80 : i32
      %dma_start3A_636 = arith.constant 0 : i32
      %dma_start3A_637 = tpu.memref_slice %arg6[%dma_start3A_634, %dma_start3A_635, %dma_start3A_636] : memref<4x160x128xf32, #tpu.memory_space<vmem>> -> memref<1x80x128xf32, #tpu.memory_space<vmem>>
      %dma_start3A_638 = tpu.memref_squeeze %dma_start3A_637 : memref<1x80x128xf32, #tpu.memory_space<vmem>> -> memref<80x128xf32, #tpu.memory_space<vmem>>
      %dma_start3A_639 = arith.constant 0 : i32
      %dma_start3A_640 = tpu.memref_slice %arg5[%add3A_622, %dma_start3A_639] : memref<320x80xi32, #tpu.memory_space<vmem>> -> memref<1x80xi32, #tpu.memory_space<vmem>>
      %dma_start3A_641 = tpu.memref_squeeze %dma_start3A_640 : memref<1x80xi32, #tpu.memory_space<vmem>> -> memref<80xi32, #tpu.memory_space<vmem>>
      %dma_start3A_642 = arith.constant 0 : i32
      %dma_start3A_643 = arith.constant 0 : i32
      %dma_start3A_644 = tpu.memref_slice %arg7[%dma_start3A_642, %dma_start3A_643] : memref<1000x128xf32, #tpu.memory_space<vmem_shared>> -> memref<1000x128xf32, #tpu.memory_space<vmem_shared>>
      tpu.enqueue_indirect_dma source(%dma_start3A_644 : memref<1000x128xf32, #tpu.memory_space<vmem_shared>>) target(%dma_start3A_638 : memref<80x128xf32, #tpu.memory_space<vmem>>) offsets(%dma_start3A_641 : memref<80xi32, #tpu.memory_space<vmem>>) semaphore(%arg9 : memref<!tpu.dma_semaphore, #tpu.memory_space<semaphore_mem>>)
      %mul3A_645 = arith.constant 4 : i32
      %mul3A_646 = arith.muli %mul3A_645, %scan3A_316 : i32
      %add3A_647 = arith.constant 2 : i32
      %add3A_648 = arith.addi %mul3A_646, %add3A_647 : i32
      %mul3A_649 = arith.constant 160 : i32
      %mul3A_650 = arith.muli %add3A_648, %mul3A_649 : i32
      %add3A_651 = arith.addi %mul3A_2, %mul3A_650 : i32
      %dma_wait3A_652 = arith.constant 2 : i32
      %dma_wait3A_653 = arith.constant 0 : i32
      %dma_wait3A_654 = arith.constant 0 : i32
      %dma_wait3A_655 = tpu.memref_slice %arg6[%dma_wait3A_652, %dma_wait3A_653, %dma_wait3A_654] : memref<4x160x128xf32, #tpu.memory_space<vmem>> -> memref<1x160x128xf32, #tpu.memory_space<vmem>>
      %dma_wait3A_656 = tpu.memref_squeeze %dma_wait3A_655 : memref<1x160x128xf32, #tpu.memory_space<vmem>> -> memref<160x128xf32, #tpu.memory_space<vmem>>
      %dma_wait3A_657 = arith.constant 0 : i32
      %dma_wait3A_658 = tpu.memref_slice %arg4[%add3A_651, %dma_wait3A_657] : memref<819200x128xf32, #tpu.memory_space<hbm>> -> memref<160x128xf32, #tpu.memory_space<hbm>>
      %dma_wait3A_659 = arith.constant 0 : i32
      %dma_wait3A_660 = tpu.memref_slice %arg4[%add3A_651, %dma_wait3A_659] : memref<819200x128xf32, #tpu.memory_space<hbm>> -> memref<160x128xf32, #tpu.memory_space<hbm>>
      %dma_wait3A_661 = arith.constant 0 : i32
      %dma_wait3A_662 = arith.constant 0 : i32
      %dma_wait3A_663 = tpu.memref_slice %arg6[%dma_wait3A_652, %dma_wait3A_661, %dma_wait3A_662] : memref<4x160x128xf32, #tpu.memory_space<vmem>> -> memref<1x160x128xf32, #tpu.memory_space<vmem>>
      %dma_wait3A_664 = tpu.memref_squeeze %dma_wait3A_663 : memref<1x160x128xf32, #tpu.memory_space<vmem>> -> memref<160x128xf32, #tpu.memory_space<vmem>>
      tpu.wait_dma2 semaphore(%arg14 : memref<!tpu.dma_semaphore, #tpu.memory_space<semaphore_mem>>) src(%dma_wait3A_664 : memref<160x128xf32, #tpu.memory_space<vmem>>) dst(%dma_wait3A_660 : memref<160x128xf32, #tpu.memory_space<hbm>>)
      %add3A_665 = arith.constant 1 : i32
      %add3A_666 = arith.addi %scan3A_316, %add3A_665 : i32
      %mul3A_667 = arith.constant 4 : i32
      %mul3A_668 = arith.muli %mul3A_667, %add3A_666 : i32
      %add3A_669 = arith.constant 2 : i32
      %add3A_670 = arith.addi %mul3A_668, %add3A_669 : i32
      %mul3A_671 = arith.constant 2 : i32
      %mul3A_672 = arith.muli %add3A_670, %mul3A_671 : i32
      %add3A_673 = arith.constant 0 : i32
      %add3A_674 = arith.addi %mul3A_672, %add3A_673 : i32
      %mul3A_675 = arith.constant 2 : i32
      %mul3A_676 = arith.muli %add3A_670, %mul3A_675 : i32
      %add3A_677 = arith.constant 1 : i32
      %add3A_678 = arith.addi %mul3A_676, %add3A_677 : i32
      %dma_start3A_679 = arith.constant 2 : i32
      %dma_start3A_680 = arith.constant 0 : i32
      %dma_start3A_681 = arith.constant 0 : i32
      %dma_start3A_682 = tpu.memref_slice %arg6[%dma_start3A_679, %dma_start3A_680, %dma_start3A_681] : memref<4x160x128xf32, #tpu.memory_space<vmem>> -> memref<1x80x128xf32, #tpu.memory_space<vmem>>
      %dma_start3A_683 = tpu.memref_squeeze %dma_start3A_682 : memref<1x80x128xf32, #tpu.memory_space<vmem>> -> memref<80x128xf32, #tpu.memory_space<vmem>>
      %dma_start3A_684 = arith.constant 0 : i32
      %dma_start3A_685 = tpu.memref_slice %arg5[%add3A_674, %dma_start3A_684] : memref<320x80xi32, #tpu.memory_space<vmem>> -> memref<1x80xi32, #tpu.memory_space<vmem>>
      %dma_start3A_686 = tpu.memref_squeeze %dma_start3A_685 : memref<1x80xi32, #tpu.memory_space<vmem>> -> memref<80xi32, #tpu.memory_space<vmem>>
      %dma_start3A_687 = arith.constant 0 : i32
      %dma_start3A_688 = arith.constant 0 : i32
      %dma_start3A_689 = tpu.memref_slice %arg7[%dma_start3A_687, %dma_start3A_688] : memref<1000x128xf32, #tpu.memory_space<vmem_shared>> -> memref<1000x128xf32, #tpu.memory_space<vmem_shared>>
      tpu.enqueue_indirect_dma source(%dma_start3A_689 : memref<1000x128xf32, #tpu.memory_space<vmem_shared>>) target(%dma_start3A_683 : memref<80x128xf32, #tpu.memory_space<vmem>>) offsets(%dma_start3A_686 : memref<80xi32, #tpu.memory_space<vmem>>) semaphore(%arg10 : memref<!tpu.dma_semaphore, #tpu.memory_space<semaphore_mem>>)
      %dma_start3A_690 = arith.constant 2 : i32
      %dma_start3A_691 = arith.constant 80 : i32
      %dma_start3A_692 = arith.constant 0 : i32
      %dma_start3A_693 = tpu.memref_slice %arg6[%dma_start3A_690, %dma_start3A_691, %dma_start3A_692] : memref<4x160x128xf32, #tpu.memory_space<vmem>> -> memref<1x80x128xf32, #tpu.memory_space<vmem>>
      %dma_start3A_694 = tpu.memref_squeeze %dma_start3A_693 : memref<1x80x128xf32, #tpu.memory_space<vmem>> -> memref<80x128xf32, #tpu.memory_space<vmem>>
      %dma_start3A_695 = arith.constant 0 : i32
      %dma_start3A_696 = tpu.memref_slice %arg5[%add3A_678, %dma_start3A_695] : memref<320x80xi32, #tpu.memory_space<vmem>> -> memref<1x80xi32, #tpu.memory_space<vmem>>
      %dma_start3A_697 = tpu.memref_squeeze %dma_start3A_696 : memref<1x80xi32, #tpu.memory_space<vmem>> -> memref<80xi32, #tpu.memory_space<vmem>>
      %dma_start3A_698 = arith.constant 0 : i32
      %dma_start3A_699 = arith.constant 0 : i32
      %dma_start3A_700 = tpu.memref_slice %arg7[%dma_start3A_698, %dma_start3A_699] : memref<1000x128xf32, #tpu.memory_space<vmem_shared>> -> memref<1000x128xf32, #tpu.memory_space<vmem_shared>>
      tpu.enqueue_indirect_dma source(%dma_start3A_700 : memref<1000x128xf32, #tpu.memory_space<vmem_shared>>) target(%dma_start3A_694 : memref<80x128xf32, #tpu.memory_space<vmem>>) offsets(%dma_start3A_697 : memref<80xi32, #tpu.memory_space<vmem>>) semaphore(%arg10 : memref<!tpu.dma_semaphore, #tpu.memory_space<semaphore_mem>>)
      %mul3A_701 = arith.constant 4 : i32
      %mul3A_702 = arith.muli %mul3A_701, %scan3A_316 : i32
      %add3A_703 = arith.constant 3 : i32
      %add3A_704 = arith.addi %mul3A_702, %add3A_703 : i32
      %mul3A_705 = arith.constant 160 : i32
      %mul3A_706 = arith.muli %add3A_704, %mul3A_705 : i32
      %add3A_707 = arith.addi %mul3A_2, %mul3A_706 : i32
      %dma_wait3A_708 = arith.constant 3 : i32
      %dma_wait3A_709 = arith.constant 0 : i32
      %dma_wait3A_710 = arith.constant 0 : i32
      %dma_wait3A_711 = tpu.memref_slice %arg6[%dma_wait3A_708, %dma_wait3A_709, %dma_wait3A_710] : memref<4x160x128xf32, #tpu.memory_space<vmem>> -> memref<1x160x128xf32, #tpu.memory_space<vmem>>
      %dma_wait3A_712 = tpu.memref_squeeze %dma_wait3A_711 : memref<1x160x128xf32, #tpu.memory_space<vmem>> -> memref<160x128xf32, #tpu.memory_space<vmem>>
      %dma_wait3A_713 = arith.constant 0 : i32
      %dma_wait3A_714 = tpu.memref_slice %arg4[%add3A_707, %dma_wait3A_713] : memref<819200x128xf32, #tpu.memory_space<hbm>> -> memref<160x128xf32, #tpu.memory_space<hbm>>
      %dma_wait3A_715 = arith.constant 0 : i32
      %dma_wait3A_716 = tpu.memref_slice %arg4[%add3A_707, %dma_wait3A_715] : memref<819200x128xf32, #tpu.memory_space<hbm>> -> memref<160x128xf32, #tpu.memory_space<hbm>>
      %dma_wait3A_717 = arith.constant 0 : i32
      %dma_wait3A_718 = arith.constant 0 : i32
      %dma_wait3A_719 = tpu.memref_slice %arg6[%dma_wait3A_708, %dma_wait3A_717, %dma_wait3A_718] : memref<4x160x128xf32, #tpu.memory_space<vmem>> -> memref<1x160x128xf32, #tpu.memory_space<vmem>>
      %dma_wait3A_720 = tpu.memref_squeeze %dma_wait3A_719 : memref<1x160x128xf32, #tpu.memory_space<vmem>> -> memref<160x128xf32, #tpu.memory_space<vmem>>
      tpu.wait_dma2 semaphore(%arg15 : memref<!tpu.dma_semaphore, #tpu.memory_space<semaphore_mem>>) src(%dma_wait3A_720 : memref<160x128xf32, #tpu.memory_space<vmem>>) dst(%dma_wait3A_716 : memref<160x128xf32, #tpu.memory_space<hbm>>)
      %add3A_721 = arith.constant 1 : i32
      %add3A_722 = arith.addi %scan3A_316, %add3A_721 : i32
      %mul3A_723 = arith.constant 4 : i32
      %mul3A_724 = arith.muli %mul3A_723, %add3A_722 : i32
      %add3A_725 = arith.constant 3 : i32
      %add3A_726 = arith.addi %mul3A_724, %add3A_725 : i32
      %mul3A_727 = arith.constant 2 : i32
      %mul3A_728 = arith.muli %add3A_726, %mul3A_727 : i32
      %add3A_729 = arith.constant 0 : i32
      %add3A_730 = arith.addi %mul3A_728, %add3A_729 : i32
      %mul3A_731 = arith.constant 2 : i32
      %mul3A_732 = arith.muli %add3A_726, %mul3A_731 : i32
      %add3A_733 = arith.constant 1 : i32
      %add3A_734 = arith.addi %mul3A_732, %add3A_733 : i32
      %dma_start3A_735 = arith.constant 3 : i32
      %dma_start3A_736 = arith.constant 0 : i32
      %dma_start3A_737 = arith.constant 0 : i32
      %dma_start3A_738 = tpu.memref_slice %arg6[%dma_start3A_735, %dma_start3A_736, %dma_start3A_737] : memref<4x160x128xf32, #tpu.memory_space<vmem>> -> memref<1x80x128xf32, #tpu.memory_space<vmem>>
      %dma_start3A_739 = tpu.memref_squeeze %dma_start3A_738 : memref<1x80x128xf32, #tpu.memory_space<vmem>> -> memref<80x128xf32, #tpu.memory_space<vmem>>
      %dma_start3A_740 = arith.constant 0 : i32
      %dma_start3A_741 = tpu.memref_slice %arg5[%add3A_730, %dma_start3A_740] : memref<320x80xi32, #tpu.memory_space<vmem>> -> memref<1x80xi32, #tpu.memory_space<vmem>>
      %dma_start3A_742 = tpu.memref_squeeze %dma_start3A_741 : memref<1x80xi32, #tpu.memory_space<vmem>> -> memref<80xi32, #tpu.memory_space<vmem>>
      %dma_start3A_743 = arith.constant 0 : i32
      %dma_start3A_744 = arith.constant 0 : i32
      %dma_start3A_745 = tpu.memref_slice %arg7[%dma_start3A_743, %dma_start3A_744] : memref<1000x128xf32, #tpu.memory_space<vmem_shared>> -> memref<1000x128xf32, #tpu.memory_space<vmem_shared>>
      tpu.enqueue_indirect_dma source(%dma_start3A_745 : memref<1000x128xf32, #tpu.memory_space<vmem_shared>>) target(%dma_start3A_739 : memref<80x128xf32, #tpu.memory_space<vmem>>) offsets(%dma_start3A_742 : memref<80xi32, #tpu.memory_space<vmem>>) semaphore(%arg11 : memref<!tpu.dma_semaphore, #tpu.memory_space<semaphore_mem>>)
      %dma_start3A_746 = arith.constant 3 : i32
      %dma_start3A_747 = arith.constant 80 : i32
      %dma_start3A_748 = arith.constant 0 : i32
      %dma_start3A_749 = tpu.memref_slice %arg6[%dma_start3A_746, %dma_start3A_747, %dma_start3A_748] : memref<4x160x128xf32, #tpu.memory_space<vmem>> -> memref<1x80x128xf32, #tpu.memory_space<vmem>>
      %dma_start3A_750 = tpu.memref_squeeze %dma_start3A_749 : memref<1x80x128xf32, #tpu.memory_space<vmem>> -> memref<80x128xf32, #tpu.memory_space<vmem>>
      %dma_start3A_751 = arith.constant 0 : i32
      %dma_start3A_752 = tpu.memref_slice %arg5[%add3A_734, %dma_start3A_751] : memref<320x80xi32, #tpu.memory_space<vmem>> -> memref<1x80xi32, #tpu.memory_space<vmem>>
      %dma_start3A_753 = tpu.memref_squeeze %dma_start3A_752 : memref<1x80xi32, #tpu.memory_space<vmem>> -> memref<80xi32, #tpu.memory_space<vmem>>
      %dma_start3A_754 = arith.constant 0 : i32
      %dma_start3A_755 = arith.constant 0 : i32
      %dma_start3A_756 = tpu.memref_slice %arg7[%dma_start3A_754, %dma_start3A_755] : memref<1000x128xf32, #tpu.memory_space<vmem_shared>> -> memref<1000x128xf32, #tpu.memory_space<vmem_shared>>
      tpu.enqueue_indirect_dma source(%dma_start3A_756 : memref<1000x128xf32, #tpu.memory_space<vmem_shared>>) target(%dma_start3A_750 : memref<80x128xf32, #tpu.memory_space<vmem>>) offsets(%dma_start3A_753 : memref<80xi32, #tpu.memory_space<vmem>>) semaphore(%arg11 : memref<!tpu.dma_semaphore, #tpu.memory_space<semaphore_mem>>)
    }
    %scan3A_108 = arith.constant 39 : i32
    %dma_wait3A = arith.constant 312 : i32
    %dma_wait3A_109 = arith.constant 0 : i32
    %dma_wait3A_110 = arith.constant 0 : i32
    %dma_wait3A_111 = arith.constant 0 : i32
    %dma_wait3A_112 = tpu.memref_slice %arg6[%dma_wait3A_109, %dma_wait3A_110, %dma_wait3A_111] : memref<4x160x128xf32, #tpu.memory_space<vmem>> -> memref<1x80x128xf32, #tpu.memory_space<vmem>>
    %dma_wait3A_113 = tpu.memref_squeeze %dma_wait3A_112 : memref<1x80x128xf32, #tpu.memory_space<vmem>> -> memref<80x128xf32, #tpu.memory_space<vmem>>
    %dma_wait3A_114 = arith.constant 0 : i32
    %dma_wait3A_115 = tpu.memref_slice %arg5[%dma_wait3A, %dma_wait3A_114] : memref<320x80xi32, #tpu.memory_space<vmem>> -> memref<1x80xi32, #tpu.memory_space<vmem>>
    %dma_wait3A_116 = tpu.memref_squeeze %dma_wait3A_115 : memref<1x80xi32, #tpu.memory_space<vmem>> -> memref<80xi32, #tpu.memory_space<vmem>>
    %dma_wait3A_117 = arith.constant 0 : i32
    %dma_wait3A_118 = arith.constant 0 : i32
    %dma_wait3A_119 = tpu.memref_slice %arg7[%dma_wait3A_117, %dma_wait3A_118] : memref<1000x128xf32, #tpu.memory_space<vmem_shared>> -> memref<1000x128xf32, #tpu.memory_space<vmem_shared>>
    tpu.wait_indirect_dma semaphore(%arg8 : memref<!tpu.dma_semaphore, #tpu.memory_space<semaphore_mem>>) src(%dma_wait3A_119 : memref<1000x128xf32, #tpu.memory_space<vmem_shared>>) dst(%dma_wait3A_113 : memref<80x128xf32, #tpu.memory_space<vmem>>)
    %dma_wait3A_120 = arith.constant 313 : i32
    %dma_wait3A_121 = arith.constant 0 : i32
    %dma_wait3A_122 = arith.constant 80 : i32
    %dma_wait3A_123 = arith.constant 0 : i32
    %dma_wait3A_124 = tpu.memref_slice %arg6[%dma_wait3A_121, %dma_wait3A_122, %dma_wait3A_123] : memref<4x160x128xf32, #tpu.memory_space<vmem>> -> memref<1x80x128xf32, #tpu.memory_space<vmem>>
    %dma_wait3A_125 = tpu.memref_squeeze %dma_wait3A_124 : memref<1x80x128xf32, #tpu.memory_space<vmem>> -> memref<80x128xf32, #tpu.memory_space<vmem>>
    %dma_wait3A_126 = arith.constant 0 : i32
    %dma_wait3A_127 = tpu.memref_slice %arg5[%dma_wait3A_120, %dma_wait3A_126] : memref<320x80xi32, #tpu.memory_space<vmem>> -> memref<1x80xi32, #tpu.memory_space<vmem>>
    %dma_wait3A_128 = tpu.memref_squeeze %dma_wait3A_127 : memref<1x80xi32, #tpu.memory_space<vmem>> -> memref<80xi32, #tpu.memory_space<vmem>>
    %dma_wait3A_129 = arith.constant 0 : i32
    %dma_wait3A_130 = arith.constant 0 : i32
    %dma_wait3A_131 = tpu.memref_slice %arg7[%dma_wait3A_129, %dma_wait3A_130] : memref<1000x128xf32, #tpu.memory_space<vmem_shared>> -> memref<1000x128xf32, #tpu.memory_space<vmem_shared>>
    tpu.wait_indirect_dma semaphore(%arg8 : memref<!tpu.dma_semaphore, #tpu.memory_space<semaphore_mem>>) src(%dma_wait3A_131 : memref<1000x128xf32, #tpu.memory_space<vmem_shared>>) dst(%dma_wait3A_125 : memref<80x128xf32, #tpu.memory_space<vmem>>)
    %add3A_132 = arith.constant 24960 : i32
    %add3A_133 = arith.addi %mul3A_2, %add3A_132 : i32
    %dma_start3A_134 = arith.constant 0 : i32
    %dma_start3A_135 = arith.constant 0 : i32
    %dma_start3A_136 = arith.constant 0 : i32
    %dma_start3A_137 = tpu.memref_slice %arg6[%dma_start3A_134, %dma_start3A_135, %dma_start3A_136] : memref<4x160x128xf32, #tpu.memory_space<vmem>> -> memref<1x160x128xf32, #tpu.memory_space<vmem>>
    %dma_start3A_138 = tpu.memref_squeeze %dma_start3A_137 : memref<1x160x128xf32, #tpu.memory_space<vmem>> -> memref<160x128xf32, #tpu.memory_space<vmem>>
    %dma_start3A_139 = arith.constant 0 : i32
    %dma_start3A_140 = tpu.memref_slice %arg4[%add3A_133, %dma_start3A_139] : memref<819200x128xf32, #tpu.memory_space<hbm>> -> memref<160x128xf32, #tpu.memory_space<hbm>>
    %dma_start3A_141 = arith.constant 0 : i32
    %dma_start3A_142 = tpu.memref_slice %arg4[%add3A_133, %dma_start3A_141] : memref<819200x128xf32, #tpu.memory_space<hbm>> -> memref<160x128xf32, #tpu.memory_space<hbm>>
    %dma_start3A_143 = arith.constant 0 : i32
    %dma_start3A_144 = arith.constant 0 : i32
    %dma_start3A_145 = tpu.memref_slice %arg6[%dma_start3A_134, %dma_start3A_143, %dma_start3A_144] : memref<4x160x128xf32, #tpu.memory_space<vmem>> -> memref<1x160x128xf32, #tpu.memory_space<vmem>>
    %dma_start3A_146 = tpu.memref_squeeze %dma_start3A_145 : memref<1x160x128xf32, #tpu.memory_space<vmem>> -> memref<160x128xf32, #tpu.memory_space<vmem>>
    tpu.enqueue_dma source(%dma_start3A_146 : memref<160x128xf32, #tpu.memory_space<vmem>>) target(%dma_start3A_142 : memref<160x128xf32, #tpu.memory_space<hbm>>) target_semaphore(%arg12 : memref<!tpu.dma_semaphore, #tpu.memory_space<semaphore_mem>>)
    %dma_wait3A_147 = arith.constant 314 : i32
    %dma_wait3A_148 = arith.constant 1 : i32
    %dma_wait3A_149 = arith.constant 0 : i32
    %dma_wait3A_150 = arith.constant 0 : i32
    %dma_wait3A_151 = tpu.memref_slice %arg6[%dma_wait3A_148, %dma_wait3A_149, %dma_wait3A_150] : memref<4x160x128xf32, #tpu.memory_space<vmem>> -> memref<1x80x128xf32, #tpu.memory_space<vmem>>
    %dma_wait3A_152 = tpu.memref_squeeze %dma_wait3A_151 : memref<1x80x128xf32, #tpu.memory_space<vmem>> -> memref<80x128xf32, #tpu.memory_space<vmem>>
    %dma_wait3A_153 = arith.constant 0 : i32
    %dma_wait3A_154 = tpu.memref_slice %arg5[%dma_wait3A_147, %dma_wait3A_153] : memref<320x80xi32, #tpu.memory_space<vmem>> -> memref<1x80xi32, #tpu.memory_space<vmem>>
    %dma_wait3A_155 = tpu.memref_squeeze %dma_wait3A_154 : memref<1x80xi32, #tpu.memory_space<vmem>> -> memref<80xi32, #tpu.memory_space<vmem>>
    %dma_wait3A_156 = arith.constant 0 : i32
    %dma_wait3A_157 = arith.constant 0 : i32
    %dma_wait3A_158 = tpu.memref_slice %arg7[%dma_wait3A_156, %dma_wait3A_157] : memref<1000x128xf32, #tpu.memory_space<vmem_shared>> -> memref<1000x128xf32, #tpu.memory_space<vmem_shared>>
    tpu.wait_indirect_dma semaphore(%arg9 : memref<!tpu.dma_semaphore, #tpu.memory_space<semaphore_mem>>) src(%dma_wait3A_158 : memref<1000x128xf32, #tpu.memory_space<vmem_shared>>) dst(%dma_wait3A_152 : memref<80x128xf32, #tpu.memory_space<vmem>>)
    %dma_wait3A_159 = arith.constant 315 : i32
    %dma_wait3A_160 = arith.constant 1 : i32
    %dma_wait3A_161 = arith.constant 80 : i32
    %dma_wait3A_162 = arith.constant 0 : i32
    %dma_wait3A_163 = tpu.memref_slice %arg6[%dma_wait3A_160, %dma_wait3A_161, %dma_wait3A_162] : memref<4x160x128xf32, #tpu.memory_space<vmem>> -> memref<1x80x128xf32, #tpu.memory_space<vmem>>
    %dma_wait3A_164 = tpu.memref_squeeze %dma_wait3A_163 : memref<1x80x128xf32, #tpu.memory_space<vmem>> -> memref<80x128xf32, #tpu.memory_space<vmem>>
    %dma_wait3A_165 = arith.constant 0 : i32
    %dma_wait3A_166 = tpu.memref_slice %arg5[%dma_wait3A_159, %dma_wait3A_165] : memref<320x80xi32, #tpu.memory_space<vmem>> -> memref<1x80xi32, #tpu.memory_space<vmem>>
    %dma_wait3A_167 = tpu.memref_squeeze %dma_wait3A_166 : memref<1x80xi32, #tpu.memory_space<vmem>> -> memref<80xi32, #tpu.memory_space<vmem>>
    %dma_wait3A_168 = arith.constant 0 : i32
    %dma_wait3A_169 = arith.constant 0 : i32
    %dma_wait3A_170 = tpu.memref_slice %arg7[%dma_wait3A_168, %dma_wait3A_169] : memref<1000x128xf32, #tpu.memory_space<vmem_shared>> -> memref<1000x128xf32, #tpu.memory_space<vmem_shared>>
    tpu.wait_indirect_dma semaphore(%arg9 : memref<!tpu.dma_semaphore, #tpu.memory_space<semaphore_mem>>) src(%dma_wait3A_170 : memref<1000x128xf32, #tpu.memory_space<vmem_shared>>) dst(%dma_wait3A_164 : memref<80x128xf32, #tpu.memory_space<vmem>>)
    %add3A_171 = arith.constant 25120 : i32
    %add3A_172 = arith.addi %mul3A_2, %add3A_171 : i32
    %dma_start3A_173 = arith.constant 1 : i32
    %dma_start3A_174 = arith.constant 0 : i32
    %dma_start3A_175 = arith.constant 0 : i32
    %dma_start3A_176 = tpu.memref_slice %arg6[%dma_start3A_173, %dma_start3A_174, %dma_start3A_175] : memref<4x160x128xf32, #tpu.memory_space<vmem>> -> memref<1x160x128xf32, #tpu.memory_space<vmem>>
    %dma_start3A_177 = tpu.memref_squeeze %dma_start3A_176 : memref<1x160x128xf32, #tpu.memory_space<vmem>> -> memref<160x128xf32, #tpu.memory_space<vmem>>
    %dma_start3A_178 = arith.constant 0 : i32
    %dma_start3A_179 = tpu.memref_slice %arg4[%add3A_172, %dma_start3A_178] : memref<819200x128xf32, #tpu.memory_space<hbm>> -> memref<160x128xf32, #tpu.memory_space<hbm>>
    %dma_start3A_180 = arith.constant 0 : i32
    %dma_start3A_181 = tpu.memref_slice %arg4[%add3A_172, %dma_start3A_180] : memref<819200x128xf32, #tpu.memory_space<hbm>> -> memref<160x128xf32, #tpu.memory_space<hbm>>
    %dma_start3A_182 = arith.constant 0 : i32
    %dma_start3A_183 = arith.constant 0 : i32
    %dma_start3A_184 = tpu.memref_slice %arg6[%dma_start3A_173, %dma_start3A_182, %dma_start3A_183] : memref<4x160x128xf32, #tpu.memory_space<vmem>> -> memref<1x160x128xf32, #tpu.memory_space<vmem>>
    %dma_start3A_185 = tpu.memref_squeeze %dma_start3A_184 : memref<1x160x128xf32, #tpu.memory_space<vmem>> -> memref<160x128xf32, #tpu.memory_space<vmem>>
    tpu.enqueue_dma source(%dma_start3A_185 : memref<160x128xf32, #tpu.memory_space<vmem>>) target(%dma_start3A_181 : memref<160x128xf32, #tpu.memory_space<hbm>>) target_semaphore(%arg13 : memref<!tpu.dma_semaphore, #tpu.memory_space<semaphore_mem>>)
    %dma_wait3A_186 = arith.constant 316 : i32
    %dma_wait3A_187 = arith.constant 2 : i32
    %dma_wait3A_188 = arith.constant 0 : i32
    %dma_wait3A_189 = arith.constant 0 : i32
    %dma_wait3A_190 = tpu.memref_slice %arg6[%dma_wait3A_187, %dma_wait3A_188, %dma_wait3A_189] : memref<4x160x128xf32, #tpu.memory_space<vmem>> -> memref<1x80x128xf32, #tpu.memory_space<vmem>>
    %dma_wait3A_191 = tpu.memref_squeeze %dma_wait3A_190 : memref<1x80x128xf32, #tpu.memory_space<vmem>> -> memref<80x128xf32, #tpu.memory_space<vmem>>
    %dma_wait3A_192 = arith.constant 0 : i32
    %dma_wait3A_193 = tpu.memref_slice %arg5[%dma_wait3A_186, %dma_wait3A_192] : memref<320x80xi32, #tpu.memory_space<vmem>> -> memref<1x80xi32, #tpu.memory_space<vmem>>
    %dma_wait3A_194 = tpu.memref_squeeze %dma_wait3A_193 : memref<1x80xi32, #tpu.memory_space<vmem>> -> memref<80xi32, #tpu.memory_space<vmem>>
    %dma_wait3A_195 = arith.constant 0 : i32
    %dma_wait3A_196 = arith.constant 0 : i32
    %dma_wait3A_197 = tpu.memref_slice %arg7[%dma_wait3A_195, %dma_wait3A_196] : memref<1000x128xf32, #tpu.memory_space<vmem_shared>> -> memref<1000x128xf32, #tpu.memory_space<vmem_shared>>
    tpu.wait_indirect_dma semaphore(%arg10 : memref<!tpu.dma_semaphore, #tpu.memory_space<semaphore_mem>>) src(%dma_wait3A_197 : memref<1000x128xf32, #tpu.memory_space<vmem_shared>>) dst(%dma_wait3A_191 : memref<80x128xf32, #tpu.memory_space<vmem>>)
    %dma_wait3A_198 = arith.constant 317 : i32
    %dma_wait3A_199 = arith.constant 2 : i32
    %dma_wait3A_200 = arith.constant 80 : i32
    %dma_wait3A_201 = arith.constant 0 : i32
    %dma_wait3A_202 = tpu.memref_slice %arg6[%dma_wait3A_199, %dma_wait3A_200, %dma_wait3A_201] : memref<4x160x128xf32, #tpu.memory_space<vmem>> -> memref<1x80x128xf32, #tpu.memory_space<vmem>>
    %dma_wait3A_203 = tpu.memref_squeeze %dma_wait3A_202 : memref<1x80x128xf32, #tpu.memory_space<vmem>> -> memref<80x128xf32, #tpu.memory_space<vmem>>
    %dma_wait3A_204 = arith.constant 0 : i32
    %dma_wait3A_205 = tpu.memref_slice %arg5[%dma_wait3A_198, %dma_wait3A_204] : memref<320x80xi32, #tpu.memory_space<vmem>> -> memref<1x80xi32, #tpu.memory_space<vmem>>
    %dma_wait3A_206 = tpu.memref_squeeze %dma_wait3A_205 : memref<1x80xi32, #tpu.memory_space<vmem>> -> memref<80xi32, #tpu.memory_space<vmem>>
    %dma_wait3A_207 = arith.constant 0 : i32
    %dma_wait3A_208 = arith.constant 0 : i32
    %dma_wait3A_209 = tpu.memref_slice %arg7[%dma_wait3A_207, %dma_wait3A_208] : memref<1000x128xf32, #tpu.memory_space<vmem_shared>> -> memref<1000x128xf32, #tpu.memory_space<vmem_shared>>
    tpu.wait_indirect_dma semaphore(%arg10 : memref<!tpu.dma_semaphore, #tpu.memory_space<semaphore_mem>>) src(%dma_wait3A_209 : memref<1000x128xf32, #tpu.memory_space<vmem_shared>>) dst(%dma_wait3A_203 : memref<80x128xf32, #tpu.memory_space<vmem>>)
    %add3A_210 = arith.constant 25280 : i32
    %add3A_211 = arith.addi %mul3A_2, %add3A_210 : i32
    %dma_start3A_212 = arith.constant 2 : i32
    %dma_start3A_213 = arith.constant 0 : i32
    %dma_start3A_214 = arith.constant 0 : i32
    %dma_start3A_215 = tpu.memref_slice %arg6[%dma_start3A_212, %dma_start3A_213, %dma_start3A_214] : memref<4x160x128xf32, #tpu.memory_space<vmem>> -> memref<1x160x128xf32, #tpu.memory_space<vmem>>
    %dma_start3A_216 = tpu.memref_squeeze %dma_start3A_215 : memref<1x160x128xf32, #tpu.memory_space<vmem>> -> memref<160x128xf32, #tpu.memory_space<vmem>>
    %dma_start3A_217 = arith.constant 0 : i32
    %dma_start3A_218 = tpu.memref_slice %arg4[%add3A_211, %dma_start3A_217] : memref<819200x128xf32, #tpu.memory_space<hbm>> -> memref<160x128xf32, #tpu.memory_space<hbm>>
    %dma_start3A_219 = arith.constant 0 : i32
    %dma_start3A_220 = tpu.memref_slice %arg4[%add3A_211, %dma_start3A_219] : memref<819200x128xf32, #tpu.memory_space<hbm>> -> memref<160x128xf32, #tpu.memory_space<hbm>>
    %dma_start3A_221 = arith.constant 0 : i32
    %dma_start3A_222 = arith.constant 0 : i32
    %dma_start3A_223 = tpu.memref_slice %arg6[%dma_start3A_212, %dma_start3A_221, %dma_start3A_222] : memref<4x160x128xf32, #tpu.memory_space<vmem>> -> memref<1x160x128xf32, #tpu.memory_space<vmem>>
    %dma_start3A_224 = tpu.memref_squeeze %dma_start3A_223 : memref<1x160x128xf32, #tpu.memory_space<vmem>> -> memref<160x128xf32, #tpu.memory_space<vmem>>
    tpu.enqueue_dma source(%dma_start3A_224 : memref<160x128xf32, #tpu.memory_space<vmem>>) target(%dma_start3A_220 : memref<160x128xf32, #tpu.memory_space<hbm>>) target_semaphore(%arg14 : memref<!tpu.dma_semaphore, #tpu.memory_space<semaphore_mem>>)
    %dma_wait3A_225 = arith.constant 318 : i32
    %dma_wait3A_226 = arith.constant 3 : i32
    %dma_wait3A_227 = arith.constant 0 : i32
    %dma_wait3A_228 = arith.constant 0 : i32
    %dma_wait3A_229 = tpu.memref_slice %arg6[%dma_wait3A_226, %dma_wait3A_227, %dma_wait3A_228] : memref<4x160x128xf32, #tpu.memory_space<vmem>> -> memref<1x80x128xf32, #tpu.memory_space<vmem>>
    %dma_wait3A_230 = tpu.memref_squeeze %dma_wait3A_229 : memref<1x80x128xf32, #tpu.memory_space<vmem>> -> memref<80x128xf32, #tpu.memory_space<vmem>>
    %dma_wait3A_231 = arith.constant 0 : i32
    %dma_wait3A_232 = tpu.memref_slice %arg5[%dma_wait3A_225, %dma_wait3A_231] : memref<320x80xi32, #tpu.memory_space<vmem>> -> memref<1x80xi32, #tpu.memory_space<vmem>>
    %dma_wait3A_233 = tpu.memref_squeeze %dma_wait3A_232 : memref<1x80xi32, #tpu.memory_space<vmem>> -> memref<80xi32, #tpu.memory_space<vmem>>
    %dma_wait3A_234 = arith.constant 0 : i32
    %dma_wait3A_235 = arith.constant 0 : i32
    %dma_wait3A_236 = tpu.memref_slice %arg7[%dma_wait3A_234, %dma_wait3A_235] : memref<1000x128xf32, #tpu.memory_space<vmem_shared>> -> memref<1000x128xf32, #tpu.memory_space<vmem_shared>>
    tpu.wait_indirect_dma semaphore(%arg11 : memref<!tpu.dma_semaphore, #tpu.memory_space<semaphore_mem>>) src(%dma_wait3A_236 : memref<1000x128xf32, #tpu.memory_space<vmem_shared>>) dst(%dma_wait3A_230 : memref<80x128xf32, #tpu.memory_space<vmem>>)
    %dma_wait3A_237 = arith.constant 319 : i32
    %dma_wait3A_238 = arith.constant 3 : i32
    %dma_wait3A_239 = arith.constant 80 : i32
    %dma_wait3A_240 = arith.constant 0 : i32
    %dma_wait3A_241 = tpu.memref_slice %arg6[%dma_wait3A_238, %dma_wait3A_239, %dma_wait3A_240] : memref<4x160x128xf32, #tpu.memory_space<vmem>> -> memref<1x80x128xf32, #tpu.memory_space<vmem>>
    %dma_wait3A_242 = tpu.memref_squeeze %dma_wait3A_241 : memref<1x80x128xf32, #tpu.memory_space<vmem>> -> memref<80x128xf32, #tpu.memory_space<vmem>>
    %dma_wait3A_243 = arith.constant 0 : i32
    %dma_wait3A_244 = tpu.memref_slice %arg5[%dma_wait3A_237, %dma_wait3A_243] : memref<320x80xi32, #tpu.memory_space<vmem>> -> memref<1x80xi32, #tpu.memory_space<vmem>>
    %dma_wait3A_245 = tpu.memref_squeeze %dma_wait3A_244 : memref<1x80xi32, #tpu.memory_space<vmem>> -> memref<80xi32, #tpu.memory_space<vmem>>
    %dma_wait3A_246 = arith.constant 0 : i32
    %dma_wait3A_247 = arith.constant 0 : i32
    %dma_wait3A_248 = tpu.memref_slice %arg7[%dma_wait3A_246, %dma_wait3A_247] : memref<1000x128xf32, #tpu.memory_space<vmem_shared>> -> memref<1000x128xf32, #tpu.memory_space<vmem_shared>>
    tpu.wait_indirect_dma semaphore(%arg11 : memref<!tpu.dma_semaphore, #tpu.memory_space<semaphore_mem>>) src(%dma_wait3A_248 : memref<1000x128xf32, #tpu.memory_space<vmem_shared>>) dst(%dma_wait3A_242 : memref<80x128xf32, #tpu.memory_space<vmem>>)
    %add3A_249 = arith.constant 25440 : i32
    %add3A_250 = arith.addi %mul3A_2, %add3A_249 : i32
    %dma_start3A_251 = arith.constant 3 : i32
    %dma_start3A_252 = arith.constant 0 : i32
    %dma_start3A_253 = arith.constant 0 : i32
    %dma_start3A_254 = tpu.memref_slice %arg6[%dma_start3A_251, %dma_start3A_252, %dma_start3A_253] : memref<4x160x128xf32, #tpu.memory_space<vmem>> -> memref<1x160x128xf32, #tpu.memory_space<vmem>>
    %dma_start3A_255 = tpu.memref_squeeze %dma_start3A_254 : memref<1x160x128xf32, #tpu.memory_space<vmem>> -> memref<160x128xf32, #tpu.memory_space<vmem>>
    %dma_start3A_256 = arith.constant 0 : i32
    %dma_start3A_257 = tpu.memref_slice %arg4[%add3A_250, %dma_start3A_256] : memref<819200x128xf32, #tpu.memory_space<hbm>> -> memref<160x128xf32, #tpu.memory_space<hbm>>
    %dma_start3A_258 = arith.constant 0 : i32
    %dma_start3A_259 = tpu.memref_slice %arg4[%add3A_250, %dma_start3A_258] : memref<819200x128xf32, #tpu.memory_space<hbm>> -> memref<160x128xf32, #tpu.memory_space<hbm>>
    %dma_start3A_260 = arith.constant 0 : i32
    %dma_start3A_261 = arith.constant 0 : i32
    %dma_start3A_262 = tpu.memref_slice %arg6[%dma_start3A_251, %dma_start3A_260, %dma_start3A_261] : memref<4x160x128xf32, #tpu.memory_space<vmem>> -> memref<1x160x128xf32, #tpu.memory_space<vmem>>
    %dma_start3A_263 = tpu.memref_squeeze %dma_start3A_262 : memref<1x160x128xf32, #tpu.memory_space<vmem>> -> memref<160x128xf32, #tpu.memory_space<vmem>>
    tpu.enqueue_dma source(%dma_start3A_263 : memref<160x128xf32, #tpu.memory_space<vmem>>) target(%dma_start3A_259 : memref<160x128xf32, #tpu.memory_space<hbm>>) target_semaphore(%arg15 : memref<!tpu.dma_semaphore, #tpu.memory_space<semaphore_mem>>)
    %dma_wait3A_264 = arith.constant 0 : i32
    %dma_wait3A_265 = arith.constant 0 : i32
    %dma_wait3A_266 = arith.constant 0 : i32
    %dma_wait3A_267 = tpu.memref_slice %arg6[%dma_wait3A_264, %dma_wait3A_265, %dma_wait3A_266] : memref<4x160x128xf32, #tpu.memory_space<vmem>> -> memref<1x160x128xf32, #tpu.memory_space<vmem>>
    %dma_wait3A_268 = tpu.memref_squeeze %dma_wait3A_267 : memref<1x160x128xf32, #tpu.memory_space<vmem>> -> memref<160x128xf32, #tpu.memory_space<vmem>>
    %dma_wait3A_269 = arith.constant 0 : i32
    %dma_wait3A_270 = tpu.memref_slice %arg4[%add3A_133, %dma_wait3A_269] : memref<819200x128xf32, #tpu.memory_space<hbm>> -> memref<160x128xf32, #tpu.memory_space<hbm>>
    %dma_wait3A_271 = arith.constant 0 : i32
    %dma_wait3A_272 = tpu.memref_slice %arg4[%add3A_133, %dma_wait3A_271] : memref<819200x128xf32, #tpu.memory_space<hbm>> -> memref<160x128xf32, #tpu.memory_space<hbm>>
    %dma_wait3A_273 = arith.constant 0 : i32
    %dma_wait3A_274 = arith.constant 0 : i32
    %dma_wait3A_275 = tpu.memref_slice %arg6[%dma_wait3A_264, %dma_wait3A_273, %dma_wait3A_274] : memref<4x160x128xf32, #tpu.memory_space<vmem>> -> memref<1x160x128xf32, #tpu.memory_space<vmem>>
    %dma_wait3A_276 = tpu.memref_squeeze %dma_wait3A_275 : memref<1x160x128xf32, #tpu.memory_space<vmem>> -> memref<160x128xf32, #tpu.memory_space<vmem>>
    tpu.wait_dma2 semaphore(%arg12 : memref<!tpu.dma_semaphore, #tpu.memory_space<semaphore_mem>>) src(%dma_wait3A_276 : memref<160x128xf32, #tpu.memory_space<vmem>>) dst(%dma_wait3A_272 : memref<160x128xf32, #tpu.memory_space<hbm>>)
    %dma_wait3A_277 = arith.constant 1 : i32
    %dma_wait3A_278 = arith.constant 0 : i32
    %dma_wait3A_279 = arith.constant 0 : i32
    %dma_wait3A_280 = tpu.memref_slice %arg6[%dma_wait3A_277, %dma_wait3A_278, %dma_wait3A_279] : memref<4x160x128xf32, #tpu.memory_space<vmem>> -> memref<1x160x128xf32, #tpu.memory_space<vmem>>
    %dma_wait3A_281 = tpu.memref_squeeze %dma_wait3A_280 : memref<1x160x128xf32, #tpu.memory_space<vmem>> -> memref<160x128xf32, #tpu.memory_space<vmem>>
    %dma_wait3A_282 = arith.constant 0 : i32
    %dma_wait3A_283 = tpu.memref_slice %arg4[%add3A_172, %dma_wait3A_282] : memref<819200x128xf32, #tpu.memory_space<hbm>> -> memref<160x128xf32, #tpu.memory_space<hbm>>
    %dma_wait3A_284 = arith.constant 0 : i32
    %dma_wait3A_285 = tpu.memref_slice %arg4[%add3A_172, %dma_wait3A_284] : memref<819200x128xf32, #tpu.memory_space<hbm>> -> memref<160x128xf32, #tpu.memory_space<hbm>>
    %dma_wait3A_286 = arith.constant 0 : i32
    %dma_wait3A_287 = arith.constant 0 : i32
    %dma_wait3A_288 = tpu.memref_slice %arg6[%dma_wait3A_277, %dma_wait3A_286, %dma_wait3A_287] : memref<4x160x128xf32, #tpu.memory_space<vmem>> -> memref<1x160x128xf32, #tpu.memory_space<vmem>>
    %dma_wait3A_289 = tpu.memref_squeeze %dma_wait3A_288 : memref<1x160x128xf32, #tpu.memory_space<vmem>> -> memref<160x128xf32, #tpu.memory_space<vmem>>
    tpu.wait_dma2 semaphore(%arg13 : memref<!tpu.dma_semaphore, #tpu.memory_space<semaphore_mem>>) src(%dma_wait3A_289 : memref<160x128xf32, #tpu.memory_space<vmem>>) dst(%dma_wait3A_285 : memref<160x128xf32, #tpu.memory_space<hbm>>)
    %dma_wait3A_290 = arith.constant 2 : i32
    %dma_wait3A_291 = arith.constant 0 : i32
    %dma_wait3A_292 = arith.constant 0 : i32
    %dma_wait3A_293 = tpu.memref_slice %arg6[%dma_wait3A_290, %dma_wait3A_291, %dma_wait3A_292] : memref<4x160x128xf32, #tpu.memory_space<vmem>> -> memref<1x160x128xf32, #tpu.memory_space<vmem>>
    %dma_wait3A_294 = tpu.memref_squeeze %dma_wait3A_293 : memref<1x160x128xf32, #tpu.memory_space<vmem>> -> memref<160x128xf32, #tpu.memory_space<vmem>>
    %dma_wait3A_295 = arith.constant 0 : i32
    %dma_wait3A_296 = tpu.memref_slice %arg4[%add3A_211, %dma_wait3A_295] : memref<819200x128xf32, #tpu.memory_space<hbm>> -> memref<160x128xf32, #tpu.memory_space<hbm>>
    %dma_wait3A_297 = arith.constant 0 : i32
    %dma_wait3A_298 = tpu.memref_slice %arg4[%add3A_211, %dma_wait3A_297] : memref<819200x128xf32, #tpu.memory_space<hbm>> -> memref<160x128xf32, #tpu.memory_space<hbm>>
    %dma_wait3A_299 = arith.constant 0 : i32
    %dma_wait3A_300 = arith.constant 0 : i32
    %dma_wait3A_301 = tpu.memref_slice %arg6[%dma_wait3A_290, %dma_wait3A_299, %dma_wait3A_300] : memref<4x160x128xf32, #tpu.memory_space<vmem>> -> memref<1x160x128xf32, #tpu.memory_space<vmem>>
    %dma_wait3A_302 = tpu.memref_squeeze %dma_wait3A_301 : memref<1x160x128xf32, #tpu.memory_space<vmem>> -> memref<160x128xf32, #tpu.memory_space<vmem>>
    tpu.wait_dma2 semaphore(%arg14 : memref<!tpu.dma_semaphore, #tpu.memory_space<semaphore_mem>>) src(%dma_wait3A_302 : memref<160x128xf32, #tpu.memory_space<vmem>>) dst(%dma_wait3A_298 : memref<160x128xf32, #tpu.memory_space<hbm>>)
    %dma_wait3A_303 = arith.constant 3 : i32
    %dma_wait3A_304 = arith.constant 0 : i32
    %dma_wait3A_305 = arith.constant 0 : i32
    %dma_wait3A_306 = tpu.memref_slice %arg6[%dma_wait3A_303, %dma_wait3A_304, %dma_wait3A_305] : memref<4x160x128xf32, #tpu.memory_space<vmem>> -> memref<1x160x128xf32, #tpu.memory_space<vmem>>
    %dma_wait3A_307 = tpu.memref_squeeze %dma_wait3A_306 : memref<1x160x128xf32, #tpu.memory_space<vmem>> -> memref<160x128xf32, #tpu.memory_space<vmem>>
    %dma_wait3A_308 = arith.constant 0 : i32
    %dma_wait3A_309 = tpu.memref_slice %arg4[%add3A_250, %dma_wait3A_308] : memref<819200x128xf32, #tpu.memory_space<hbm>> -> memref<160x128xf32, #tpu.memory_space<hbm>>
    %dma_wait3A_310 = arith.constant 0 : i32
    %dma_wait3A_311 = tpu.memref_slice %arg4[%add3A_250, %dma_wait3A_310] : memref<819200x128xf32, #tpu.memory_space<hbm>> -> memref<160x128xf32, #tpu.memory_space<hbm>>
    %dma_wait3A_312 = arith.constant 0 : i32
    %dma_wait3A_313 = arith.constant 0 : i32
    %dma_wait3A_314 = tpu.memref_slice %arg6[%dma_wait3A_303, %dma_wait3A_312, %dma_wait3A_313] : memref<4x160x128xf32, #tpu.memory_space<vmem>> -> memref<1x160x128xf32, #tpu.memory_space<vmem>>
    %dma_wait3A_315 = tpu.memref_squeeze %dma_wait3A_314 : memref<1x160x128xf32, #tpu.memory_space<vmem>> -> memref<160x128xf32, #tpu.memory_space<vmem>>
    tpu.wait_dma2 semaphore(%arg15 : memref<!tpu.dma_semaphore, #tpu.memory_space<semaphore_mem>>) src(%dma_wait3A_315 : memref<160x128xf32, #tpu.memory_space<vmem>>) dst(%dma_wait3A_311 : memref<160x128xf32, #tpu.memory_space<hbm>>)
    return
  }
}

</mosaic_0001>

<sc_bundles>
// kernel: _lookup.3.cloned.1.call-start
scs
__scs_entry_jumppad:
0x0: {  	(pc) =	sbr.rel $0x88, $3  }
0x1: {  	(tag) =	ssettag $0x0;
	lr =	simm.s32 $0x1  }
0x2: {  	[smem:$0x3F9F] =	sst lr;
	_ =	strace $0xD0000000  }
0x3: {  	_ = 	snop  }
0x4: {  	_ = 	snop  }
0x5: {  	_ = 	snop  }
0x6: {  	_ = 	snop  }
0x7: {  	_ = 	snop  }
__scs_overlays_trampoline_lowered:
0x8: {  	[smem:$0x3FAE] =	sst s0  }
0x9: {  	[smem:$0x3FAF] =	sst s1  }
0xa: {  	[smem:$0x3FB0] =	sst s2  }
0xb: {  	[smem:$0x3FB1] =	sst s3  }
0xc: {  	[smem:$0x3FB2] =	sst s4  }
0xd: {  	[smem:$0x3FB3] =	sst s5  }
0xe: {  	[smem:$0x3FB4] =	sst s6  }
0xf: {  	[smem:$0x3FB5] =	sst s7  }
0x10: {  	[smem:$0x3FB6] =	sst s8  }
0x11: {  	[smem:$0x3FB7] =	sst s9;
	s0 =	simm.s32 @!p0 $0x0  }
0x12: {  	s1 =	sld [smem:$0x3F9D];
	s0 =	simm.s32 @p0 $0x1  }
0x13: {  	[smem:$0x3FB8] =	sst s0;
	s0 =	simm.s32 @!p1 $0x0  }
0x14: {  	s2 =	sld [smem:$0x3F9C];
	s0 =	simm.s32 @p1 $0x1  }
0x15: {  	[smem:$0x3FB9] =	sst s0;
	s0 =	simm.s32 @!p2 $0x0  }
0x16: {  	s3 =	sld [smem:$0x3FDB];
	s0 =	simm.s32 @p2 $0x1  }
0x17: {  	s4 =	simm.s32 $0x1BF5;
	[smem:$0x3FBB] =	sst s0  }
0x18: {  	s0 =	sld [smem:$0x3F9E];
	_ =	swait.ge [sflag:s4], $0x0  }
0x19: {  	s7 =	sld [smem:$0x3F9F]  }
0x1a: {  	s8 =	sadd.s32 $0xFFFFE003, lr  }
0x1b: {  	s9 =	sadd.s32 $0xFFFFFEF7, lr;
	s5 =	simm.s32 $0xFFFFFFFF;
	p2 =	slt.u32 s8, $0xFFFFF086  }
0x1c: {  	p1 =	slt.u32 s9, $0xF7A;
	s5 =	simm.s32 @!p2 $0x0  }
0x1d: {  	s5 =	simm.s32 @p1 $0x1;
	p0 =	seq.s32 s7, s2  }
0x1e: {  	s7 =	smul.u32 @!p0 $0xF7A, s2;
	p2 =	seq.s32 @!p0 s5, $0x0  }
0x1f: {  	s9 =	smul.u32 $0xF7A, s1;
	s8 =	simm.s32 @!p0 $0x1BF5;
	p2 =	por !p2, p0  }
0x20: {  	[sflag:s8] =	ssyncset.s32 @!p0 $0xFFFFF086;
	s6 =	sadd.s32 @!p0 s3, s7;
	s7 =	simm.s32 @!p0 $0x108  }
0x21: {  	s3 =	sadd.s32 s3, s9;
	s6 =	sadd.s32 @!p0 $0x88, s6;
	s7 =	simm.s32 @p2 $0x1082  }
0x22: {  	[simem:s7], [sflag:s8] =	dma.local @!p0 [hbm:s6], $0xF7A  }
0x23: {  	s9 =	sor.u32 $0xD0000000, s2;
	s6 =	simm.s32 $0x108;
	_ =	swait.ge @!p0 [sflag:s8], $0x0  }
0x24: {  	s3 =	sadd.s32 $0x88, s3;
	s6 =	simm.s32 @!p1 $0x1082;
	[sflag:s4] =	ssyncset.s32 $0xFFFFF086  }
0x25: {  	[simem:s6], [sflag:s4] =	dma.local [hbm:s3], $0xF7A  }
0x26: {  	[smem:$0x3F9F] =	sst s1;
	(tag) =	ssettag s2;
	_ =	strace s9  }
0x27: {  	s1 =	sld [smem:$0x3FAF]  }
0x28: {  	s2 =	sld [smem:$0x3FB0]  }
0x29: {  	s4 =	sld [smem:$0x3FB2]  }
0x2a: {  	p0 =	seq.s32 s5, $0x0;
	s5 =	sld [smem:$0x3FB3]  }
0x2b: {  	s6 =	sld [smem:$0x3FB4]  }
0x2c: {  	s7 =	sld [smem:$0x3FB5]  }
0x2d: {  	s3 =	simm.s32 $0x108;
	s8 =	sld [smem:$0x3FB6]  }
0x2e: {  	s3 =	simm.s32 @!p0 $0x1082;
	s9 =	sld [smem:$0x3FB7]  }
0x2f: {  	lr =	sadd.s32 s0, s3;
	s0 =	sld [smem:$0x3FAE]  }
0x30: {  	s3 =	sld [smem:$0x3FB1]  }
0x31: {  	[smem:$0x3FBA] =	sst s10  }
0x32: {  	s10 =	sld [smem:$0x3FB8];
	_ =	sdelay $0x3  }
0x33: {  	p0 =	seq.s32 s10, $0x1;
	s10 =	sld [smem:$0x3FBA];
	_ =	sdelay $0x3  }
0x34: {  	[smem:$0x3FBA] =	sst s10  }
0x35: {  	s10 =	sld [smem:$0x3FB9];
	_ =	sdelay $0x3  }
0x36: {  	p1 =	seq.s32 s10, $0x1;
	s10 =	sld [smem:$0x3FBA];
	_ =	sdelay $0x3  }
0x37: {  	[smem:$0x3FBA] =	sst s10  }
0x38: {  	s10 =	sld [smem:$0x3FBB]  }
0x39: {  	_ = 	snop;
	(pc) =	sbr.ind lr, $3  }
0x3a: {  	_ = 	snop  }
0x3b: {  	_ = 	snop  }
0x3c: {  	p2 =	seq.s32 s10, $0x1;
	s10 =	sld [smem:$0x3FBA]  }
0x3d: {  	_ =	shalt  }
0x3e: {  	_ =	shalt  }
0x3f: {  	_ =	shalt  }
0x40: {  	_ =	shalt  }
0x41: {  	_ =	shalt  }
0x42: {  	_ =	shalt  }
0x43: {  	_ =	shalt  }
0x44: {  	_ =	shalt  }
0x45: {  	_ =	shalt  }
0x46: {  	_ =	shalt  }
0x47: {  	_ =	shalt  }
0x48: {  	_ =	shalt  }
0x49: {  	_ =	shalt  }
0x4a: {  	_ =	shalt  }
0x4b: {  	_ =	shalt  }
0x4c: {  	_ =	shalt  }
0x4d: {  	_ =	shalt  }
0x4e: {  	_ =	shalt  }
0x4f: {  	_ =	shalt  }
0x50: {  	_ =	shalt  }
0x51: {  	_ =	shalt  }
0x52: {  	_ =	shalt  }
0x53: {  	_ =	shalt  }
0x54: {  	_ =	shalt  }
0x55: {  	_ =	shalt  }
0x56: {  	_ =	shalt  }
0x57: {  	_ =	shalt  }
0x58: {  	_ =	shalt  }
0x59: {  	_ =	shalt  }
0x5a: {  	_ =	shalt  }
0x5b: {  	_ =	shalt  }
0x5c: {  	_ =	shalt  }
0x5d: {  	_ =	shalt  }
0x5e: {  	_ =	shalt  }
0x5f: {  	_ =	shalt  }
0x60: {  	_ =	shalt  }
0x61: {  	_ =	shalt  }
0x62: {  	_ =	shalt  }
0x63: {  	_ =	shalt  }
0x64: {  	_ =	shalt  }
0x65: {  	_ =	shalt  }
0x66: {  	_ =	shalt  }
0x67: {  	_ =	shalt  }
0x68: {  	_ =	shalt  }
0x69: {  	_ =	shalt  }
0x6a: {  	_ =	shalt  }
0x6b: {  	_ =	shalt  }
0x6c: {  	_ =	shalt  }
0x6d: {  	_ =	shalt  }
0x6e: {  	_ =	shalt  }
0x6f: {  	_ =	shalt  }
0x70: {  	_ =	shalt  }
0x71: {  	_ =	shalt  }
0x72: {  	_ =	shalt  }
0x73: {  	_ =	shalt  }
0x74: {  	_ =	shalt  }
0x75: {  	_ =	shalt  }
0x76: {  	_ =	shalt  }
0x77: {  	_ =	shalt  }
0x78: {  	_ =	shalt  }
0x79: {  	_ =	shalt  }
0x7a: {  	_ =	shalt  }
0x7b: {  	_ =	shalt  }
0x7c: {  	_ =	shalt  }
0x7d: {  	_ =	shalt  }
0x7e: {  	_ =	shalt  }
0x7f: {  	_ =	shalt  }
0x80: {  	_ =	shalt  }
0x81: {  	_ =	shalt  }
0x82: {  	_ =	shalt  }
0x83: {  	_ =	shalt  }
0x84: {  	_ =	shalt  }
0x85: {  	_ =	shalt  }
0x86: {  	_ =	shalt  }
0x87: {  	_ =	shalt  }
.Lfunc_end0:
.L_simem_size_0:
called_computation_lowered:
.L_overlay_start_0:
0x88: {  	s2 =	sld [smem:$0x3FD9]  }
0x89: {  	s3 =	sld [smem:$0x3FFE];
	_ =	sdelay $0x1  }
0x8a: {  	s1 =	srdreg.scid  }
0x8b: {  	s0 =	sand.u32 $0x1, s1  }
0x8c: {  	s17 =	sshll.u32 s0, $0xA;
	s2 =	sadd.s32 s3, s2  }
0x8d: {  	s2 =	sadd.s32 s2, s17  }
0x8e: {  	[smem:$0x3FC6] =	sst s2  }
0x8f: {  	_ = 	snop  }
0x90: {  	s2 =	sld [smem:$0x3FC8]  }
0x91: {  	s18 =	sld [smem:$0x3FD0];
	(tm) =	ssettm $0x1  }
0x92: {  	s4 =	sld [smem:$0x3FFB];
	_ =	sdelay $0x3  }
0x93: {  	_ =	strace s4  }
0x94: {  	s4 =	sld [smem:$0x3FFC];
	_ =	sdelay $0x3  }
0x95: {  	_ =	strace s4  }
0x96: {  	s4 =	sld [smem:$0x3FFD];
	_ =	sdelay $0x3  }
0x97: {  	_ =	strace s4  }
0x98: {  	_ =	strace $0x8FFFFFFF  }
0x99: {  	s19 =	sld [smem:$0x3FDB];
	_ =	sdelay $0x1  }
0x9a: {  	s5 =	simm.s32 $_scs_section_size  }
0x9b: {  	s6 =	simm.s32 $_size__tile_overlayer_lowered;
	s7 =	simm.s32 $_tile_overlayer_lowered  }
0x9c: {  	s22 =	simm.s32 $0x1BFF;
	s21 =	sshll.u32 s7, $0x1;
	s4 =	sadd.s32 s5, s19  }
0x9d: {  	s8 =	simm.s32 $0x0;
	s20 =	sshll.u32 s6, $0x1;
	s6 =	sadd.s32 s21, s4  }
0x9e: {  	[timem:s8], [sflag:s22] =	dma.local [hbm:s6], s20  }
0x9f: {  	_ =	swait.ge [sflag:s22], s20  }
0xa0: {  	s5 =	ssub.s32 $0x0, s20;
	[sflag:s22] =	ssyncset.done $0x0  }
0xa1: {  	[sflag:s22] =	ssyncadd.s32 s5;
	_ =	sdelay $0x1  }
0xa2: {  	s23 =	simm.s32 $0x1B8B  }
0xa3: {  	_ =	swait.ge [sflag:s23], $0x1  }
0xa4: {  	[sflag:s23] =	ssyncset.done $0x0  }
0xa5: {  	s25 =	simm.s32 $0x1B8E;
	s24 =	sld [smem:$0x3FFE];
	[sflag:s23] =	ssyncadd.s32 $0xFFFFFFFF  }
0xa6: {  	s26 =	simm.s32 $execute0_lowered;
	[smem:$0x3FD2] =	sst s25  }
0xa7: {  	s6 =	sshll.u32 s26, $0x1;
	_ =	strace $0x80000046;
	[dreg:$0x1] =	wrdreg $0xFFFFFFFF  }
0xa8: {  	s28 =	simm.s32 $_size_execute0_lowered;
	s4 =	sadd.s32 s4, s6;
	[dreg:$0x0] =	wrdreg $0x0  }
0xa9: {  	s6 =	sshll.u32 s28, $0x1;
	[dreg:$0x2] =	wrdreg s4  }
0xaa: {  	[dreg:$0x3] =	wrdreg s6  }
0xab: {  	[dreg:$0x4] =	wrdreg $0xC0  }
0xac: {  	_ =	task [dreg:s8], $0x5FFFF  }
0xad: {  	[dreg:$0x1] =	wrdreg $0xFFFFFFFF  }
0xae: {  	[dreg:$0x0] =	wrdreg $0x60  }
0xaf: {  	[dreg:$0x2] =	wrdreg s24  }
0xb0: {  	[dreg:$0x3] =	wrdreg s2  }
0xb1: {  	[dreg:$0x4] =	wrdreg s18  }
0xb2: {  	[dreg:$0x5] =	wrdreg $0x1E0000  }
0xb3: {  	[dreg:$0x6] =	wrdreg $0x9  }
0xb4: {  	_ =	task.clear_ibuf [dreg:s8], $0x7FFFF;
	_ =	strace $0x90000046  }
0xb5: {  	s29 =	simm.s32 $0x9;
	_ =	strace $0x80000048  }
0xb6: {  	_ =	swait.ge [sflag:s29], $0x1  }
0xb7: {  	[sflag:s29] =	ssyncadd.s32 $0xFFFFFFFF  }
0xb8: {  	_ =	strace $0x90000048  }
0xb9: {  	_ =	sfence  }
0xba: {  	s30 =	sld [smem:$0x0];
	_ =	sdelay $0x2  }
0xbb: {  	s31 =	sshll.u32 s1, $0xD;
	s1 =	sshrl.u32 s1, $0x2  }
0xbc: {  	s3 =	sand.u32 $0x4000, s31;
	s1 =	sadd.s32 s1, s30  }
0xbd: {  	s0 =	sor.u32 s3, s0;
	s1 =	sshll.u32 s1, $0x11  }
0xbe: {  	s0 =	sor.u32 s1, s0  }
0xbf: {  	s0 =	sadd.s32 $0x8F2B, s0  }
0xc0: {  	[sflag:s0] =	ssyncadd.remote.s32 $0x1  }
0xc1: {  	_ =	sfence.sel $0xFFFF  }
0xc2: {  	[dreg:$0x0] =	wrdreg $0xFFFFFFFF;
	(pc) =	sbr.abs _section_cstart, $3  }
0xc3: {  	[dreg:$0x1] =	wrdreg $0xFFFFFFFF  }
0xc4: {  	_ =	task.clear_ibuf [dreg:s8], $0x2FFFF;
	_ =	strace $0x9FFFFFFF  }
0xc5: {  	(tm) =	ssettm $0x7FFFFFFF  }
tec
execute0_lowered:
.L_overlay_start_1:
0x0: {  	(tag) =	ssettag $0x1  }
0x1: {  	s0 =	rddreg [dreg:$0x0]  }
0x2: {  	s1 =	rddreg [dreg:$0x1]  }
0x3: {  	s4 =	rddreg [dreg:$0x2];
	s3 =	srdreg.scid  }
0x4: {  	s12 =	stileid.u32;
	s2 =	rddreg [dreg:$0x3]  }
0x5: {  	s16 =	simm.s32 $0x9;
	s17 =	simm.s32 $0x50;
	s29 =	simm.s32 $0x16800  }
0x6: {  	s31 =	simm.s32 $0x19000;
	s28 =	simm.s32 $0x5;
	s30 =	simm.s32 $0x6  }
0x7: {  	s5 =	sand.u32 $0x1, s3;
	s6 =	sshll.u32 s12, $0x1;
	s3 =	simm.s32 $0x0  }
0x8: {  	s19 =	sadd.s32 $0x3800, s1;
	s20 =	sshll.u32 s12, $0xE;
	s21 =	sshll.u32 s12, $0xB  }
0x9: {  	s25 =	smul.u32 $0xC8000, s12;
	p0 =	sgt.u32 s12, $0x6;
	s6 =	sor.u32 s5, s6  }
0xa: {  	[smem:$0x7FF] =	sst s3;
	s8 =	ssub.s32 $0x2, s5;
	s15 =	sadd.s32 s20, s2  }
0xb: {  	s1 =	sadd.s32 s1, s21;
	s26 =	smul.u32 $0x64000, s5;
	p1 =	sne.s32 @p0 s12, $0x7  }
0xc: {  	s20 =	simm.s32 $0xC800;
	s21 =	simm.s32 $0x2;
	s5 =	simm.s32 $0x0  }
0xd: {  	s7 =	smul.u32 $0x1400, s6;
	_ =	strace $0x80000047;
	[dreg:$0x5] =	wrdreg s19  }
0xe: {  	s9 =	sshrl.u32 s8, $0x1;
	s6 =	smul.u32 $0x320000, s6;
	[dreg:$0x6] =	wrdreg s1  }
0xf: {  	p1 =	por p1, !p0;
	s1 =	sshll.u32 @!p0 s12, $0x6;
	s15 =	sshrl.u32 @!p0 s15, $0x3  }
0x10: {  	s19 =	simm.s32 $0x1;
	s18 =	ssub.s32 s8, s9;
	s8 =	sadd.s32 $0x1C000, s2  }
0x11: {  	s14 =	sor.u32 @!p0 $0x1C09, s1;
	s1 =	simm.s32 $0x7;
	s0 =	sadd.s32 s7, s0  }
0x12: {  	s6 =	sshrl.u32 s6, $0x3;
	s11 =	smax.u32 s18, $0x1;
	s13 =	sshrl.u32 @!p1 s8, $0x3  }
0x13: {  	s18 =	simm.s32 $0xA000;
	s6 =	sadd.s32 s4, s6;
	s0 =	sadd.s32 $0x400, s0  }
0x14: {  	[dreg:$0x7] =	wrdreg s0;
	s22 =	sadd.s32 $0x61800, s6;
	s23 =	sadd.s32 $0x62200, s6  }
0x15: {  	s24 =	sadd.s32 $0x62C00, s6;
	s10 =	sadd.s32 $0x63600, s6;
	[dreg:$0x8] =	wrdreg s22  }
0x16: {  	s0 =	sadd.s32 s25, s4;
	s25 =	simm.s32 $0x4;
	[dreg:$0x9] =	wrdreg s23  }
0x17: {  	s4 =	simm.s32 $0x8;
	[dreg:$0xa] =	wrdreg s24;
	s0 =	sadd.s32 s26, s0  }
0x18: {  	s22 =	simm.s32 $0xF000;
	s24 =	simm.s32 $0x11800;
	s26 =	simm.s32 $0x14000  }
0x19: {  	s23 =	simm.s32 $0x3;
	s12 =	sadd.s32 $0x1E00, s0;
	s0 =	simm.s32 $0x1B800  }
.LBB2_1:
0x1a: {  	s6 =	simm.s32 @!p1 $0x1DC9;
	s7 =	rddreg [dreg:$0x5]  }
0x1b: {  	[spmem:s13], [sflag:s6] =	dma.local @!p1 [hbm:s7], $0x680  }
0x1c: {  	s6 =	simm.s32 @!p1 $0x9  }
0x1d: {  	_ =	swait.ge @!p1 [sflag:s6], $0x680  }
0x1e: {  	[sflag:s6] =	ssyncset.done @!p1 $0x0  }
0x1f: {  	[sflag:s6] =	ssyncadd.s32 @!p1 $0xFFFFF980;
	s6 =	rddreg [dreg:$0x6]  }
0x20: {  	[spmem:s15], [sflag:s14] =	dma.local @!p0 [hbm:s6], $0x800  }
0x21: {  	s6 =	simm.s32 @!p0 $0x9  }
0x22: {  	_ =	swait.ge @!p0 [sflag:s6], $0x800  }
0x23: {  	[sflag:s6] =	ssyncset.done @!p0 $0x0  }
0x24: {  	s7 =	rddreg [dreg:$0x7];
	[sflag:s6] =	ssyncadd.s32 @!p0 $0xFFFFF800  }
0x25: {  	[tilespmem:s3], [sflag:$0x9] =	stream.linear.gather [hbm4b:s7+s3], $0xA000, $0x38;
	[tilespmem:$0x1FF40] =	vst v63  }
0x26: {  	_ =	swait.ge [sflag:s16], $0xA000  }
0x27: {  	[sflag:s16] =	ssyncset.done $0x0  }
0x28: {  	[sflag:s16] =	ssyncadd.s32 $0xFFFF6000  }
0x29: {  	[bflag:$0x0] =	sbarrier.arrive $0xFFFF  }
0x2a: {  	[tilespmem:s18], [sflag:$0x1] =	stream.indirect.gather [spmem:s2], $0x80, s3, s17, $0xb8;
	[tilespmem:$0x1FF40] =	vst v63  }
0x2b: {  	s8 =	simm.s32 $0x80  }
0x2c: {  	[tilespmem:s20], [sflag:$0x1] =	stream.indirect.gather [spmem:s2], $0x80, s8, s17, $0xb8;
	[tilespmem:$0x1FF40] =	vst v63  }
0x2d: {  	s9 =	simm.s32 $0x100  }
0x2e: {  	[tilespmem:s22], [sflag:$0x2] =	stream.indirect.gather [spmem:s2], $0x80, s9, s17, $0xb8;
	[tilespmem:$0x1FF40] =	vst v63  }
0x2f: {  	s7 =	simm.s32 $0x180  }
0x30: {  	[tilespmem:s24], [sflag:$0x2] =	stream.indirect.gather [spmem:s2], $0x80, s7, s17, $0xb8;
	[tilespmem:$0x1FF40] =	vst v63  }
0x31: {  	s8 =	simm.s32 $0x200  }
0x32: {  	[tilespmem:s26], [sflag:$0x3] =	stream.indirect.gather [spmem:s2], $0x80, s8, s17, $0xb8;
	[tilespmem:$0x1FF40] =	vst v63  }
0x33: {  	s9 =	simm.s32 $0x280  }
0x34: {  	[tilespmem:s29], [sflag:$0x3] =	stream.indirect.gather [spmem:s2], $0x80, s9, s17, $0xb8;
	[tilespmem:$0x1FF40] =	vst v63  }
0x35: {  	s7 =	simm.s32 $0x300  }
0x36: {  	[tilespmem:s31], [sflag:$0x4] =	stream.indirect.gather [spmem:s2], $0x80, s7, s17, $0xb8;
	[tilespmem:$0x1FF40] =	vst v63  }
0x37: {  	s8 =	simm.s32 $0x380  }
0x38: {  	[tilespmem:s0], [sflag:$0x4] =	stream.indirect.gather [spmem:s2], $0x80, s8, s17, $0xb8;
	[tilespmem:$0x1FF40] =	vst v63  }
0x39: {  	_ =	swait.ge [sflag:s19], $0x2800  }
0x3a: {  	[sflag:s19] =	ssyncset.done $0x0  }
0x3b: {  	[sflag:s19] =	ssyncadd.s32 $0xFFFFD800  }
0x3c: {  	_ =	swait.ge [sflag:s19], $0x2800  }
0x3d: {  	[sflag:s19] =	ssyncset.done $0x0  }
0x3e: {  	s9 =	sadd.s32 $0xFFFFE200, s12;
	[sflag:s19] =	ssyncadd.s32 $0xFFFFD800  }
0x3f: {  	[hbm4b:s9+s3] =	stream.linear.scatter [tilespmem:s18], [sflag:$0x5], $0x5000, $0x38;
	[tilespmem:$0x1FF40] =	vst v63  }
0x40: {  	_ =	swait.ge [sflag:s21], $0x2800  }
0x41: {  	[sflag:s21] =	ssyncset.done $0x0  }
0x42: {  	[sflag:s21] =	ssyncadd.s32 $0xFFFFD800  }
0x43: {  	_ =	swait.ge [sflag:s21], $0x2800  }
0x44: {  	[sflag:s21] =	ssyncset.done $0x0  }
0x45: {  	s7 =	sadd.s32 $0xFFFFEC00, s12;
	[sflag:s21] =	ssyncadd.s32 $0xFFFFD800  }
0x46: {  	[hbm4b:s7+s3] =	stream.linear.scatter [tilespmem:s22], [sflag:$0x6], $0x5000, $0x38;
	[tilespmem:$0x1FF40] =	vst v63  }
0x47: {  	_ =	swait.ge [sflag:s23], $0x2800  }
0x48: {  	[sflag:s23] =	ssyncset.done $0x0  }
0x49: {  	[sflag:s23] =	ssyncadd.s32 $0xFFFFD800  }
0x4a: {  	_ =	swait.ge [sflag:s23], $0x2800  }
0x4b: {  	[sflag:s23] =	ssyncset.done $0x0  }
0x4c: {  	s8 =	sadd.s32 $0xFFFFF600, s12;
	[sflag:s23] =	ssyncadd.s32 $0xFFFFD800  }
0x4d: {  	[hbm4b:s8+s3] =	stream.linear.scatter [tilespmem:s26], [sflag:$0x7], $0x5000, $0x38;
	[tilespmem:$0x1FF40] =	vst v63  }
0x4e: {  	_ =	swait.ge [sflag:s25], $0x2800  }
0x4f: {  	[sflag:s25] =	ssyncset.done $0x0  }
0x50: {  	[sflag:s25] =	ssyncadd.s32 $0xFFFFD800  }
0x51: {  	_ =	swait.ge [sflag:s25], $0x2800  }
0x52: {  	[sflag:s25] =	ssyncset.done $0x0  }
0x53: {  	[sflag:s25] =	ssyncadd.s32 $0xFFFFD800  }
0x54: {  	[hbm4b:s12+s3] =	stream.linear.scatter [tilespmem:s31], [sflag:$0x8], $0x5000, $0x38;
	[tilespmem:$0x1FF40] =	vst v63  }
0x55: {  	_ =	swait.ge [sflag:s28], $0x5000  }
0x56: {  	[sflag:s28] =	ssyncset.done $0x0  }
0x57: {  	s9 =	simm.s32 $0x400;
	[sflag:s28] =	ssyncadd.s32 $0xFFFFB000  }
0x58: {  	[tilespmem:s18], [sflag:$0x1] =	stream.indirect.gather [spmem:s2], $0x80, s9, s17, $0xb8;
	[tilespmem:$0x1FF40] =	vst v63  }
0x59: {  	s7 =	simm.s32 $0x480  }
0x5a: {  	[tilespmem:s20], [sflag:$0x1] =	stream.indirect.gather [spmem:s2], $0x80, s7, s17, $0xb8;
	[tilespmem:$0x1FF40] =	vst v63  }
0x5b: {  	_ =	swait.ge [sflag:s30], $0x5000  }
0x5c: {  	[sflag:s30] =	ssyncset.done $0x0  }
0x5d: {  	s8 =	simm.s32 $0x500;
	[sflag:s30] =	ssyncadd.s32 $0xFFFFB000  }
0x5e: {  	[tilespmem:s22], [sflag:$0x2] =	stream.indirect.gather [spmem:s2], $0x80, s8, s17, $0xb8;
	[tilespmem:$0x1FF40] =	vst v63  }
0x5f: {  	s9 =	simm.s32 $0x580  }
0x60: {  	[tilespmem:s24], [sflag:$0x2] =	stream.indirect.gather [spmem:s2], $0x80, s9, s17, $0xb8;
	[tilespmem:$0x1FF40] =	vst v63  }
0x61: {  	_ =	swait.ge [sflag:s1], $0x5000  }
0x62: {  	[sflag:s1] =	ssyncset.done $0x0  }
0x63: {  	s7 =	simm.s32 $0x600;
	[sflag:s1] =	ssyncadd.s32 $0xFFFFB000  }
0x64: {  	[tilespmem:s26], [sflag:$0x3] =	stream.indirect.gather [spmem:s2], $0x80, s7, s17, $0xb8;
	[tilespmem:$0x1FF40] =	vst v63  }
0x65: {  	s8 =	simm.s32 $0x680  }
0x66: {  	[tilespmem:s29], [sflag:$0x3] =	stream.indirect.gather [spmem:s2], $0x80, s8, s17, $0xb8;
	[tilespmem:$0x1FF40] =	vst v63  }
0x67: {  	_ =	swait.ge [sflag:s4], $0x5000  }
0x68: {  	s6 =	simm.s32 $0x1000;
	s9 =	simm.s32 $0x700;
	[sflag:s4] =	ssyncset.done $0x0  }
0x69: {  	s7 =	sadd.s32 $0x2800, s12;
	s8 =	simm.s32 $0x780;
	[sflag:s4] =	ssyncadd.s32 $0xFFFFB000  }
0x6a: {  	[tilespmem:s31], [sflag:$0x4] =	stream.indirect.gather [spmem:s2], $0x80, s9, s17, $0xb8;
	[tilespmem:$0x1FF40] =	vst v63  }
.LBB2_2:
0x6b: {  	[tilespmem:s0], [sflag:$0x4] =	stream.indirect.gather [spmem:s2], $0x80, s8, s17, $0xb8;
	[tilespmem:$0x1FF40] =	vst v63  }
0x6c: {  	s8 =	smov.u32 s6  }
0x6d: {  	p2 =	sne.s32 s6, $0x26000;
	s6 =	sadd.s32 $0x1000, s6;
	_ =	swait.ge [sflag:s19], $0x2800  }
0x6e: {  	[sflag:s19] =	ssyncset.done $0x0  }
0x6f: {  	[sflag:s19] =	ssyncadd.s32 $0xFFFFD800  }
0x70: {  	_ =	swait.ge [sflag:s19], $0x2800  }
0x71: {  	[sflag:s19] =	ssyncset.done $0x0  }
0x72: {  	s9 =	sadd.s32 $0xFFFFE200, s7;
	[sflag:s19] =	ssyncadd.s32 $0xFFFFD800  }
0x73: {  	[hbm4b:s9+s3] =	stream.linear.scatter [tilespmem:s18], [sflag:$0x5], $0x5000, $0x38;
	[tilespmem:$0x1FF40] =	vst v63  }
0x74: {  	_ =	swait.ge [sflag:s21], $0x2800  }
0x75: {  	[sflag:s21] =	ssyncset.done $0x0  }
0x76: {  	[sflag:s21] =	ssyncadd.s32 $0xFFFFD800  }
0x77: {  	_ =	swait.ge [sflag:s21], $0x2800  }
0x78: {  	[sflag:s21] =	ssyncset.done $0x0  }
0x79: {  	s9 =	sadd.s32 $0xFFFFEC00, s7;
	[sflag:s21] =	ssyncadd.s32 $0xFFFFD800  }
0x7a: {  	[hbm4b:s9+s3] =	stream.linear.scatter [tilespmem:s22], [sflag:$0x6], $0x5000, $0x38;
	[tilespmem:$0x1FF40] =	vst v63  }
0x7b: {  	_ =	swait.ge [sflag:s23], $0x2800  }
0x7c: {  	[sflag:s23] =	ssyncset.done $0x0  }
0x7d: {  	[sflag:s23] =	ssyncadd.s32 $0xFFFFD800  }
0x7e: {  	_ =	swait.ge [sflag:s23], $0x2800  }
0x7f: {  	[sflag:s23] =	ssyncset.done $0x0  }
0x80: {  	s9 =	sadd.s32 $0xFFFFF600, s7;
	[sflag:s23] =	ssyncadd.s32 $0xFFFFD800  }
0x81: {  	[hbm4b:s9+s3] =	stream.linear.scatter [tilespmem:s26], [sflag:$0x7], $0x5000, $0x38;
	[tilespmem:$0x1FF40] =	vst v63  }
0x82: {  	_ =	swait.ge [sflag:s25], $0x2800  }
0x83: {  	[sflag:s25] =	ssyncset.done $0x0  }
0x84: {  	[sflag:s25] =	ssyncadd.s32 $0xFFFFD800  }
0x85: {  	_ =	swait.ge [sflag:s25], $0x2800  }
0x86: {  	[sflag:s25] =	ssyncset.done $0x0  }
0x87: {  	[sflag:s25] =	ssyncadd.s32 $0xFFFFD800  }
0x88: {  	[hbm4b:s7+s3] =	stream.linear.scatter [tilespmem:s31], [sflag:$0x8], $0x5000, $0x38;
	[tilespmem:$0x1FF40] =	vst v63  }
0x89: {  	_ =	swait.ge [sflag:s28], $0x5000  }
0x8a: {  	s8 =	sshra.s32 s8, $0x2;
	[sflag:s28] =	ssyncset.done $0x0  }
0x8b: {  	s9 =	sadd.s32 $0x400, s8;
	[sflag:s28] =	ssyncadd.s32 $0xFFFFB000  }
0x8c: {  	[tilespmem:s18], [sflag:$0x1] =	stream.indirect.gather [spmem:s2], $0x80, s9, s17, $0xb8;
	[tilespmem:$0x1FF40] =	vst v63  }
0x8d: {  	s9 =	sadd.s32 $0x480, s8  }
0x8e: {  	[tilespmem:s20], [sflag:$0x1] =	stream.indirect.gather [spmem:s2], $0x80, s9, s17, $0xb8;
	[tilespmem:$0x1FF40] =	vst v63  }
0x8f: {  	_ =	swait.ge [sflag:s30], $0x5000  }
0x90: {  	[sflag:s30] =	ssyncset.done $0x0  }
0x91: {  	s9 =	sadd.s32 $0x500, s8;
	[sflag:s30] =	ssyncadd.s32 $0xFFFFB000  }
0x92: {  	[tilespmem:s22], [sflag:$0x2] =	stream.indirect.gather [spmem:s2], $0x80, s9, s17, $0xb8;
	[tilespmem:$0x1FF40] =	vst v63  }
0x93: {  	s9 =	sadd.s32 $0x580, s8  }
0x94: {  	[tilespmem:s24], [sflag:$0x2] =	stream.indirect.gather [spmem:s2], $0x80, s9, s17, $0xb8;
	[tilespmem:$0x1FF40] =	vst v63  }
0x95: {  	_ =	swait.ge [sflag:s1], $0x5000  }
0x96: {  	[sflag:s1] =	ssyncset.done $0x0  }
0x97: {  	s9 =	sadd.s32 $0x600, s8;
	[sflag:s1] =	ssyncadd.s32 $0xFFFFB000  }
0x98: {  	[tilespmem:s26], [sflag:$0x3] =	stream.indirect.gather [spmem:s2], $0x80, s9, s17, $0xb8;
	[tilespmem:$0x1FF40] =	vst v63  }
0x99: {  	s9 =	sadd.s32 $0x680, s8  }
0x9a: {  	[tilespmem:s29], [sflag:$0x3] =	stream.indirect.gather [spmem:s2], $0x80, s9, s17, $0xb8;
	[tilespmem:$0x1FF40] =	vst v63  }
.Ltmp0:
0x9b: {  	_ =	swait.ge [sflag:s4], $0x5000;
	(pc) =	sbr.rel @p2 .LBB2_2-.Ltmp0, $4  }
0x9c: {  	[sflag:s4] =	ssyncset.done $0x0  }
0x9d: {  	s9 =	sadd.s32 $0x700, s8;
	[sflag:s4] =	ssyncadd.s32 $0xFFFFB000  }
0x9e: {  	[tilespmem:s31], [sflag:$0x4] =	stream.indirect.gather [spmem:s2], $0x80, s9, s17, $0xb8;
	[tilespmem:$0x1FF40] =	vst v63  }
0x9f: {  	s7 =	sadd.s32 $0x2800, s7;
	s8 =	sadd.s32 $0x780, s8  }
0xa0: {  	[tilespmem:s0], [sflag:$0x4] =	stream.indirect.gather [spmem:s2], $0x80, s8, s17, $0xb8;
	[tilespmem:$0x1FF40] =	vst v63  }
0xa1: {  	_ =	swait.ge [sflag:s19], $0x2800  }
0xa2: {  	[sflag:s19] =	ssyncset.done $0x0  }
0xa3: {  	[sflag:s19] =	ssyncadd.s32 $0xFFFFD800  }
0xa4: {  	_ =	swait.ge [sflag:s19], $0x2800  }
0xa5: {  	[sflag:s19] =	ssyncset.done $0x0  }
0xa6: {  	s6 =	rddreg [dreg:$0x8];
	[sflag:s19] =	ssyncadd.s32 $0xFFFFD800  }
0xa7: {  	[hbm4b:s6+s3] =	stream.linear.scatter [tilespmem:s18], [sflag:$0x5], $0x5000, $0x38;
	[tilespmem:$0x1FF40] =	vst v63  }
0xa8: {  	_ =	swait.ge [sflag:s21], $0x2800  }
0xa9: {  	[sflag:s21] =	ssyncset.done $0x0  }
0xaa: {  	[sflag:s21] =	ssyncadd.s32 $0xFFFFD800  }
0xab: {  	_ =	swait.ge [sflag:s21], $0x2800  }
0xac: {  	[sflag:s21] =	ssyncset.done $0x0  }
0xad: {  	s8 =	rddreg [dreg:$0x9];
	[sflag:s21] =	ssyncadd.s32 $0xFFFFD800  }
0xae: {  	[hbm4b:s8+s3] =	stream.linear.scatter [tilespmem:s22], [sflag:$0x6], $0x5000, $0x38;
	[tilespmem:$0x1FF40] =	vst v63  }
0xaf: {  	_ =	swait.ge [sflag:s23], $0x2800  }
0xb0: {  	[sflag:s23] =	ssyncset.done $0x0  }
0xb1: {  	[sflag:s23] =	ssyncadd.s32 $0xFFFFD800  }
0xb2: {  	_ =	swait.ge [sflag:s23], $0x2800  }
0xb3: {  	[sflag:s23] =	ssyncset.done $0x0  }
0xb4: {  	s9 =	rddreg [dreg:$0xa];
	[sflag:s23] =	ssyncadd.s32 $0xFFFFD800  }
0xb5: {  	[hbm4b:s9+s3] =	stream.linear.scatter [tilespmem:s26], [sflag:$0x7], $0x5000, $0x38;
	[tilespmem:$0x1FF40] =	vst v63  }
0xb6: {  	_ =	swait.ge [sflag:s25], $0x2800  }
0xb7: {  	[sflag:s25] =	ssyncset.done $0x0  }
0xb8: {  	[sflag:s25] =	ssyncadd.s32 $0xFFFFD800  }
0xb9: {  	_ =	swait.ge [sflag:s25], $0x2800  }
0xba: {  	[sflag:s25] =	ssyncset.done $0x0  }
0xbb: {  	[sflag:s25] =	ssyncadd.s32 $0xFFFFD800  }
0xbc: {  	[hbm4b:s10+s3] =	stream.linear.scatter [tilespmem:s31], [sflag:$0x8], $0x5000, $0x38;
	[tilespmem:$0x1FF40] =	vst v63  }
0xbd: {  	_ =	swait.ge [sflag:s28], $0x5000  }
0xbe: {  	[sflag:s28] =	ssyncset.done $0x0  }
0xbf: {  	[sflag:s28] =	ssyncadd.s32 $0xFFFFB000  }
0xc0: {  	_ =	swait.ge [sflag:s30], $0x5000  }
0xc1: {  	[sflag:s30] =	ssyncset.done $0x0  }
0xc2: {  	s5 =	sadd.s32 $0x1, s5;
	[sflag:s30] =	ssyncadd.s32 $0xFFFFB000  }
0xc3: {  	p2 =	sne.s32 s5, s11;
	_ =	swait.ge [sflag:s1], $0x5000  }
.Ltmp1:
0xc4: {  	[sflag:s1] =	ssyncset.done $0x0;
	(pc) =	sbr.rel @p2 .LBB2_1-.Ltmp1, $4  }
0xc5: {  	[sflag:s1] =	ssyncadd.s32 $0xFFFFB000  }
0xc6: {  	_ =	swait.ge [sflag:s4], $0x5000  }
0xc7: {  	[sflag:s4] =	ssyncset.done $0x0  }
0xc8: {  	[sflag:s4] =	ssyncadd.s32 $0xFFFFB000  }
0xc9: {  	_ =	sfence.sel $0x180000  }
0xca: {  	[bflag:$0x0] =	sbarrier.arrive $0xFFFF  }
0xcb: {  	_ =	strace $0x90000047  }
0xcc: {  	s0 =	stileid.u32;
	[bflag:$0x2] =	sbarrier.arrive $0xFFFF  }
0xcd: {  	p0 =	sne.s32 s0, $0x0;
	s0 =	rddreg [dreg:$0x4]  }
0xce: {  	s0 =	sadd.s32 @!p0 $0x100000, s0  }
0xcf: {  	[sflag:s0] =	ssyncadd.tile.s32 @!p0 $0x1;
	_ =	shalt  }
.Lfunc_end2:
_tile_overlayer_lowered:
.L_overlay_start_2:
0xd0: {  	(tag) =	ssettag $0x2  }
0xd1: {  	s0 =	rddreg [dreg:$0x0];
	s2 =	stileid.u32  }
0xd2: {  	s1 =	rddreg [dreg:$0x1];
	p0 =	sne.s32 s2, $0x0  }
0xd3: {  	s3 =	rddreg [dreg:$0x2];
	[bflag:$0x3] =	sbarrier.arrive $0xFFFF;
	s2 =	simm.s32 @!p0 $0x1C09  }
0xd4: {  	[timem:s3], [sflag:s2] =	dma.local @!p0 [hbm:s0], s1  }
0xd5: {  	s0 =	simm.s32 @!p0 $0x9  }
0xd6: {  	_ =	swait.ge @!p0 [sflag:s0], s1  }
0xd7: {  	s1 =	ssub.s32 @!p0 $0x0, s1;
	[sflag:s0] =	ssyncset.done @!p0 $0x0  }
0xd8: {  	[sflag:s0] =	ssyncadd.s32 @!p0 s1  }
0xd9: {  	[bflag:$0x3] =	sbarrier.arrive $0xFFFF  }
0xda: {  	_ =	shalt  }

</sc_bundles>
